<compile_context>
chip_gen: v7x
topology: tpu7x:2x2x1
jax: 0.10.2.dev20260603
libtpu: 0.0.44.dev20260713+nightly
codegen_flags: <defaults>
</compile_context>

<pallas_src>
import functools

import jax
import jax.numpy as jnp
from jax import lax
from jax.experimental import pallas as pl
from jax.experimental.pallas import tpu as pltpu
from jax.experimental.pallas import tpu_sc as plsc

N = 10000
E = 320000
D = 128
G = 64

NC = 2
NS = 16
NW = NC * NS
CHUNK = 128
CPW = 80
NPH = 2
CPP = CPW // NPH
EPAD = NW * CPW * CHUNK
PAD = EPAD - E
NDUMMY = 112
NPAD = N + NDUMMY
RPT = NPAD // NS
ZVW = 640

_f32 = jnp.float32
_i32 = jnp.int32

def _deg_body(dst_hbm, deg_out, idx_v, ones_v, zero_v, deg_sh):
    c = lax.axis_index("c")
    s = lax.axis_index("s")
    wid = s * NC + c

    def zfill(i, carry):
        zero_v[pl.ds(i * 16, 16)] = jnp.zeros((16,), _f32)
        return carry

    lax.fori_loop(0, ZVW // 16, zfill, 0)
    pltpu.sync_copy(zero_v.at[pl.ds(0, RPT)], deg_sh.at[pl.ds(s * RPT, RPT)])

    for i in range(CHUNK // 16):
        ones_v[pl.ds(i * 16, 16)] = jnp.ones((16,), _f32)
    pltpu.sync_copy(dst_hbm.at[wid], idx_v)
    plsc.subcore_barrier()

    def body(j, carry):
        pltpu.sync_copy(ones_v, deg_sh.at[idx_v.at[j]], add=True)
        return carry

    lax.fori_loop(0, CPW, body, 0)
    plsc.subcore_barrier()

    @pl.when(s == 0)
    def _():
        pltpu.sync_copy(deg_sh, deg_out.at[c])


def _dense_body(x_ref, w_ref, wz_ref, wh_ref, wr_ref, ws_ref, bn1_ref,
                b1n_ref, pm_ref, d0_ref, d1_ref,
                hh_ref, nm_ref, rv_ref, recip_ref, dinv_ref):
    x = x_ref[...]
    dinv = lax.rsqrt(1.0 + d0_ref[...] + d1_ref[...])
    dinv_ref[...] = dinv

    hh = jnp.dot(x, w_ref[...], preferred_element_type=_f32) * dinv
    hh_ref[pl.ds(0, N), :] = hh
    hh_ref[pl.ds(N, NDUMMY), :] = jnp.zeros((NDUMMY, D), _f32)

    m_ng = (lax.broadcasted_iota(_i32, (N, G), 1) == bn1_ref[...])
    m_gn = (lax.broadcasted_iota(_i32, (G, N), 0) == b1n_ref[...])
    m_gn_f = m_gn.astype(_f32)

    zp = jnp.tanh(jnp.dot(x, wz_ref[...], preferred_element_type=_f32))
    pooled = jnp.dot(m_gn_f, zp, preferred_element_type=_f32)
    counts = jnp.dot(m_gn_f, jnp.ones((N, 1), _f32),
                     preferred_element_type=_f32)
    pooled = pooled / jnp.maximum(counts, 1.0)
    nm = jnp.tanh(pooled + jnp.dot(pm_ref[...], wh_ref[...],
                                   preferred_element_type=_f32))
    nm_ref[...] = nm
    valid = (counts > 0.0).astype(_f32)
    rv_ref[...] = jnp.dot(nm, wr_ref[...], preferred_element_type=_f32) * valid

    scores = jnp.dot(x, ws_ref[...], preferred_element_type=_f32)
    neg = _f32(-3e38)
    segmax = jnp.max(jnp.where(m_ng, scores, neg), axis=0,
                     keepdims=True)
    thr = jnp.max(jnp.where(m_ng, segmax, neg), axis=1,
                  keepdims=True)
    iota_n = lax.broadcasted_iota(_i32, (N, 1), 0).astype(_f32)
    cand = jnp.where(scores >= thr, iota_n, _f32(N))
    recip = jnp.min(jnp.where(m_ng, cand, _f32(N)), axis=0,
                    keepdims=True)
    recip = jnp.clip(recip, 0.0, _f32(N - 1))
    recip_ref[...] = recip.astype(_i32)


_dense_call = pl.pallas_call(
    _dense_body,
    out_shape=(
        jax.ShapeDtypeStruct((NPAD, D), _f32),
        jax.ShapeDtypeStruct((G, D), _f32),
        jax.ShapeDtypeStruct((G, D), _f32),
        jax.ShapeDtypeStruct((1, G), _i32),
        jax.ShapeDtypeStruct((N, 1), _f32),
    ),
)


def _prop_body(src_hbm, dst_hbm, hh_hbm, agg_out,
               isv, idv, buf0, buf1, sem0, sem1, agg_sh):
    c = lax.axis_index("c")
    s = lax.axis_index("s")
    wid = s * NC + c

    def zfill(r, carry):
        for cc in range(D // 16):
            buf0[r, pl.ds(cc * 16, 16)] = jnp.zeros((16,), _f32)
        return carry

    lax.fori_loop(0, CHUNK, zfill, 0)
    base = s * RPT
    off = 0
    while off < RPT:
        n = min(CHUNK, RPT - off)
        pltpu.sync_copy(buf0.at[pl.ds(0, n)],
                        agg_sh.at[pl.ds(base + off, n)])
        off += n

    bufs = (buf0, buf1)
    sems = (sem0, sem1)
    pltpu.sync_copy(src_hbm.at[wid, pl.ds(0, CPP)], isv)
    pltpu.sync_copy(dst_hbm.at[wid, pl.ds(0, CPP)], idv)
    plsc.subcore_barrier()

    for phase in range(NPH):
        if phase > 0:
            pltpu.sync_copy(src_hbm.at[wid, pl.ds(phase * CPP, CPP)], isv)
            pltpu.sync_copy(dst_hbm.at[wid, pl.ds(phase * CPP, CPP)], idv)
        pltpu.async_copy(hh_hbm.at[isv.at[0]], buf0, sem0)
        pltpu.async_copy(hh_hbm.at[isv.at[1]], buf1, sem1)

        def body(i, carry):
            for b in range(2):
                j = 2 * i + b
                pltpu.make_async_copy(hh_hbm.at[isv.at[j]], bufs[b],
                                      sems[b]).wait()
                pltpu.sync_copy(bufs[b], agg_sh.at[idv.at[j]], add=True)
                nxt = j + 2

                @pl.when(nxt < CPP)
                def _():
                    pltpu.async_copy(hh_hbm.at[isv.at[nxt]], bufs[b], sems[b])
            return carry

        lax.fori_loop(0, CPP // 2, body, 0)
    plsc.subcore_barrier()

    @pl.when(s == 0)
    def _():
        pltpu.sync_copy(agg_sh, agg_out.at[c])


def _final_body(agg_ref, hh_ref, dinv_ref, rv_ref, recip_ref, bias_ref,
                out_ref):
    aggsum = agg_ref[0, pl.ds(0, N), :] + agg_ref[1, pl.ds(0, N), :]
    hh = hh_ref[pl.ds(0, N), :]
    onehot = (lax.broadcasted_iota(_i32, (N, G), 0)
              == recip_ref[...]).astype(_f32)
    inject = jnp.dot(onehot, rv_ref[...], preferred_element_type=_f32)
    pre = dinv_ref[...] * (aggsum + hh) + inject + bias_ref[...]
    r = jnp.maximum(pre, 0.0)
    nrm = jnp.sqrt(jnp.sum(r * r, axis=1, keepdims=True))
    out_ref[...] = r / jnp.maximum(nrm, 1e-12)


_final_call = pl.pallas_call(
    _final_body,
    out_shape=jax.ShapeDtypeStruct((N, D), _f32),
)


@functools.lru_cache(maxsize=None)
def _sc_kernels():
    mesh = plsc.VectorSubcoreMesh(core_axis_name="c", subcore_axis_name="s",
                                  num_cores=NC, num_subcores=NS)
    deg_kernel = pl.kernel(
        _deg_body,
        out_type=jax.ShapeDtypeStruct((NC, NPAD), _f32),
        mesh=mesh,
        scratch_types=[
            pltpu.VMEM((CPW, CHUNK), _i32),
            pltpu.VMEM((CHUNK,), _f32),
            pltpu.VMEM((ZVW,), _f32),
            pltpu.VMEM_SHARED((NPAD,), _f32),
        ],
    )
    prop_kernel = pl.kernel(
        _prop_body,
        out_type=jax.ShapeDtypeStruct((NC, NPAD, D), _f32),
        mesh=mesh,
        scratch_types=[
            pltpu.VMEM((CPP, CHUNK), _i32),
            pltpu.VMEM((CPP, CHUNK), _i32),
            pltpu.VMEM((CHUNK, D), _f32),
            pltpu.VMEM((CHUNK, D), _f32),
            pltpu.SemaphoreType.DMA,
            pltpu.SemaphoreType.DMA,
            pltpu.VMEM_SHARED((NPAD, D), _f32),
        ],
    )
    return deg_kernel, prop_kernel


def kernel(x, edge_index, batch, W, Wz, Wh, Wr, w_score, bias, prev_mem):
    src = edge_index[0]
    dst = edge_index[1]
    pad_ids = jnp.arange(PAD, dtype=_i32)
    src_p = jnp.concatenate([src, pad_ids % N]).reshape(NW, CPW, CHUNK)
    dst_p = jnp.concatenate([dst, N + pad_ids % NDUMMY]).reshape(NW, CPW, CHUNK)

    deg_kernel, prop_kernel = _sc_kernels()
    degp = deg_kernel(dst_p)
    d0 = degp[0, :N].reshape(N, 1)
    d1 = degp[1, :N].reshape(N, 1)

    hh_pad, next_mem, read_values, recip, dinv = _dense_call(
        x, W, Wz, Wh, Wr, w_score.reshape(D, 1), batch.reshape(N, 1),
        batch.reshape(1, N), prev_mem, d0, d1)

    aggp = prop_kernel(src_p, dst_p, hh_pad)

    out = _final_call(aggp, hh_pad, dinv, read_values, recip,
                      bias.reshape(1, D))
    return out, next_mem

# --- scband reference (transcript-rebuilt; emitter-appended) ---
"""Pipeline reference for scband-memory-gcnconv-3-8169027797781 (READ-ONLY COPY).

The authoritative reference and input builder live on the scoring server;
editing this copy changes nothing except your own understanding.
"""

import jax, jax.numpy as jnp
import numpy as np

N = 10000
E = 320000
D = 128
G = 64


def setup_inputs(seed: int = 0) -> dict:
    key = jax.random.key(seed)
    ks = jax.random.split(key, 10)
    x = jax.random.normal(ks[0], (N, D), dtype=jnp.float32)
    edge_index = jax.random.randint(ks[1], (2, E), 0, N, dtype=jnp.int32)
    batch = jnp.sort(jax.random.randint(ks[2], (N,), 0, G, dtype=jnp.int32))
    W = jax.random.normal(ks[3], (D, D), dtype=jnp.float32) * 0.05
    Wz = jax.random.normal(ks[4], (D, D), dtype=jnp.float32) * 0.05
    Wh = jax.random.normal(ks[5], (D, D), dtype=jnp.float32) * 0.05
    Wr = jax.random.normal(ks[6], (D, D), dtype=jnp.float32) * 0.05
    w_score = jax.random.normal(ks[7], (D,), dtype=jnp.float32) * 0.05
    bias = jnp.zeros((D,), dtype=jnp.float32)
    prev_mem = jnp.zeros((G, D), dtype=jnp.float32)
    return {"x": x, "edge_index": edge_index, "batch": batch, "W": W, "Wz": Wz,
            "Wh": Wh, "Wr": Wr, "w_score": w_score, "bias": bias, "prev_mem": prev_mem}


def reference(x, edge_index, batch, W, Wz, Wh, Wr, w_score, bias, prev_mem):
    n = x.shape[0]
    g = prev_mem.shape[0]
    # ---- gcn_norm with self loops ----
    loop = jnp.arange(n, dtype=edge_index.dtype)
    src = jnp.concatenate([edge_index[0], loop])
    dst = jnp.concatenate([edge_index[1], loop])
    deg = jnp.zeros((n,), dtype=jnp.float32).at[dst].add(jnp.ones_like(dst, dtype=jnp.float32))
    dinv = jnp.where(deg > 0, deg ** -0.5, 0.0)
    ew = dinv[src] * dinv[dst]
    # ---- linear transform ----
    h = x @ W
    # ---- memory module: per-graph GRU-style state ----
    z = x
    zp = jnp.tanh(z @ Wz)
    pooled = jax.ops.segment_sum(zp, batch, num_segments=g)
    counts = jax.ops.segment_sum(jnp.ones((n, 1), dtype=jnp.float32), batch, num_segments=g)
    pooled = pooled / jnp.maximum(counts, 1.0)
    next_mem = jnp.tanh(pooled + prev_mem @ Wh)
    valid = (counts[:, 0] > 0).astype(jnp.float32)
    read_values = (next_mem @ Wr) * valid[:, None]
    # ---- message recipients: highest-scoring node per graph ----
    scores = z @ w_score
    idx_cand = jnp.where(
        scores >= jax.ops.segment_max(scores, batch, num_segments=g)[batch],
        jnp.arange(n, dtype=jnp.int32), jnp.int32(n))
    msg_recipients = jnp.clip(jax.ops.segment_min(idx_cand, batch, num_segments=g), 0, n - 1)
    # ---- propagate: gather, weight, scatter-add, memory injection ----
    msgs = h[src] * ew[:, None]
    agg = jnp.zeros((n, h.shape[1]), dtype=jnp.float32).at[dst].add(msgs)
    agg = agg.at[msg_recipients].add(read_values)
    out = agg + bias
    # ---- post layer: relu + l2 norm ----
    out = jax.nn.relu(out)
    out = out / jnp.maximum(jnp.linalg.norm(out, axis=1, keepdims=True), 1e-12)
    return out, next_mem

if __name__ == "__main__":
    import jax
    _d = setup_inputs()
    print(jax.jit(kernel)(*tuple(_d.values())))

</pallas_src>

<mosaic_0001>
#map = affine_map<(d0, d1) -> (0, 0, 0)>
#map1 = affine_map<(d0, d1) -> (0, 0)>
module attributes {stable_mosaic.version = 14 : i64} {
  func.func @_prop_body(%arg0: i32, %arg1: i32, %arg2: memref<32x80x128xi32, #tpu.memory_space<hbm>>, %arg3: memref<32x80x128xi32, #tpu.memory_space<hbm>>, %arg4: memref<10112x128xf32, #tpu.memory_space<hbm>>, %arg5: memref<2x10112x128xf32, #tpu.memory_space<hbm>>, %arg6: memref<40x128xi32, #tpu.memory_space<vmem>>, %arg7: memref<40x128xi32, #tpu.memory_space<vmem>>, %arg8: memref<128x128xf32, #tpu.memory_space<vmem>>, %arg9: memref<128x128xf32, #tpu.memory_space<vmem>>, %arg10: memref<!tpu.dma_semaphore, #tpu.memory_space<semaphore_mem>>, %arg11: memref<!tpu.dma_semaphore, #tpu.memory_space<semaphore_mem>>, %arg12: memref<10112x128xf32, #tpu.memory_space<vmem_shared>>) attributes {dimension_semantics = [#tpu.dimension_semantics<core_parallel>, #tpu.dimension_semantics<subcore_parallel>], iteration_bounds = array<i64: 2, 16>, scalar_prefetch = 0 : i64, scratch_operands = 7 : i64, tpu.core_type = #tpu.core_type<sc_vector_subcore>, window_params = [{transform_indices = #map}, {transform_indices = #map}, {transform_indices = #map1}, {transform_indices = #map}]} {
    %mul3A = arith.constant 2 : i32
    %mul3A_0 = arith.muli %arg1, %mul3A : i32
    %add3A = arith.addi %mul3A_0, %arg0 : i32
    %scan3A = arith.constant 0 : i32
    %scan3A_1 = arith.constant 0 : i32
    %scan3A_2 = arith.constant 128 : i32
    %scan3A_3 = arith.addi %scan3A_1, %scan3A_2 : i32
    %scan3A_4 = arith.constant 1 : i32
    scf.for %scan3A_60 = %scan3A_1 to %scan3A_3 step %scan3A_4  : i32 {
      %broadcast_in_dim3A = arith.constant 0.000000e+00 : f32
      %broadcast_in_dim3A_61 = vector.broadcast %broadcast_in_dim3A : f32 to vector<16xf32>
      %swap3A = arith.index_cast %scan3A_60 : i32 to index
      %swap3A_62 = arith.constant 0 : index
      %swap3A_63 = tpu.vector_load %arg8[%swap3A, %swap3A_62] {strides = array<i32>} : memref<128x128xf32, #tpu.memory_space<vmem>>, vector<1x16xf32>,
      %swap3A_64 = vector.shape_cast %swap3A_63 : vector<1x16xf32> to vector<16xf32>
      %swap3A_65 = vector.shape_cast %broadcast_in_dim3A_61 : vector<16xf32> to vector<1x16xf32>
      tpu.vector_store %arg8[%swap3A, %swap3A_62], %swap3A_65 {strides = array<i32>} : memref<128x128xf32, #tpu.memory_space<vmem>>, vector<1x16xf32>,
      %broadcast_in_dim3A_66 = arith.constant 0.000000e+00 : f32
      %broadcast_in_dim3A_67 = vector.broadcast %broadcast_in_dim3A_66 : f32 to vector<16xf32>
      %swap3A_68 = arith.index_cast %scan3A_60 : i32 to index
      %swap3A_69 = arith.constant 16 : index
      %swap3A_70 = tpu.vector_load %arg8[%swap3A_68, %swap3A_69] {strides = array<i32>} : memref<128x128xf32, #tpu.memory_space<vmem>>, vector<1x16xf32>,
      %swap3A_71 = vector.shape_cast %swap3A_70 : vector<1x16xf32> to vector<16xf32>
      %swap3A_72 = vector.shape_cast %broadcast_in_dim3A_67 : vector<16xf32> to vector<1x16xf32>
      tpu.vector_store %arg8[%swap3A_68, %swap3A_69], %swap3A_72 {strides = array<i32>} : memref<128x128xf32, #tpu.memory_space<vmem>>, vector<1x16xf32>,
      %broadcast_in_dim3A_73 = arith.constant 0.000000e+00 : f32
      %broadcast_in_dim3A_74 = vector.broadcast %broadcast_in_dim3A_73 : f32 to vector<16xf32>
      %swap3A_75 = arith.index_cast %scan3A_60 : i32 to index
      %swap3A_76 = arith.constant 32 : index
      %swap3A_77 = tpu.vector_load %arg8[%swap3A_75, %swap3A_76] {strides = array<i32>} : memref<128x128xf32, #tpu.memory_space<vmem>>, vector<1x16xf32>,
      %swap3A_78 = vector.shape_cast %swap3A_77 : vector<1x16xf32> to vector<16xf32>
      %swap3A_79 = vector.shape_cast %broadcast_in_dim3A_74 : vector<16xf32> to vector<1x16xf32>
      tpu.vector_store %arg8[%swap3A_75, %swap3A_76], %swap3A_79 {strides = array<i32>} : memref<128x128xf32, #tpu.memory_space<vmem>>, vector<1x16xf32>,
      %broadcast_in_dim3A_80 = arith.constant 0.000000e+00 : f32
      %broadcast_in_dim3A_81 = vector.broadcast %broadcast_in_dim3A_80 : f32 to vector<16xf32>
      %swap3A_82 = arith.index_cast %scan3A_60 : i32 to index
      %swap3A_83 = arith.constant 48 : index
      %swap3A_84 = tpu.vector_load %arg8[%swap3A_82, %swap3A_83] {strides = array<i32>} : memref<128x128xf32, #tpu.memory_space<vmem>>, vector<1x16xf32>,
      %swap3A_85 = vector.shape_cast %swap3A_84 : vector<1x16xf32> to vector<16xf32>
      %swap3A_86 = vector.shape_cast %broadcast_in_dim3A_81 : vector<16xf32> to vector<1x16xf32>
      tpu.vector_store %arg8[%swap3A_82, %swap3A_83], %swap3A_86 {strides = array<i32>} : memref<128x128xf32, #tpu.memory_space<vmem>>, vector<1x16xf32>,
      %broadcast_in_dim3A_87 = arith.constant 0.000000e+00 : f32
      %broadcast_in_dim3A_88 = vector.broadcast %broadcast_in_dim3A_87 : f32 to vector<16xf32>
      %swap3A_89 = arith.index_cast %scan3A_60 : i32 to index
      %swap3A_90 = arith.constant 64 : index
      %swap3A_91 = tpu.vector_load %arg8[%swap3A_89, %swap3A_90] {strides = array<i32>} : memref<128x128xf32, #tpu.memory_space<vmem>>, vector<1x16xf32>,
      %swap3A_92 = vector.shape_cast %swap3A_91 : vector<1x16xf32> to vector<16xf32>
      %swap3A_93 = vector.shape_cast %broadcast_in_dim3A_88 : vector<16xf32> to vector<1x16xf32>
      tpu.vector_store %arg8[%swap3A_89, %swap3A_90], %swap3A_93 {strides = array<i32>} : memref<128x128xf32, #tpu.memory_space<vmem>>, vector<1x16xf32>,
      %broadcast_in_dim3A_94 = arith.constant 0.000000e+00 : f32
      %broadcast_in_dim3A_95 = vector.broadcast %broadcast_in_dim3A_94 : f32 to vector<16xf32>
      %swap3A_96 = arith.index_cast %scan3A_60 : i32 to index
      %swap3A_97 = arith.constant 80 : index
      %swap3A_98 = tpu.vector_load %arg8[%swap3A_96, %swap3A_97] {strides = array<i32>} : memref<128x128xf32, #tpu.memory_space<vmem>>, vector<1x16xf32>,
      %swap3A_99 = vector.shape_cast %swap3A_98 : vector<1x16xf32> to vector<16xf32>
      %swap3A_100 = vector.shape_cast %broadcast_in_dim3A_95 : vector<16xf32> to vector<1x16xf32>
      tpu.vector_store %arg8[%swap3A_96, %swap3A_97], %swap3A_100 {strides = array<i32>} : memref<128x128xf32, #tpu.memory_space<vmem>>, vector<1x16xf32>,
      %broadcast_in_dim3A_101 = arith.constant 0.000000e+00 : f32
      %broadcast_in_dim3A_102 = vector.broadcast %broadcast_in_dim3A_101 : f32 to vector<16xf32>
      %swap3A_103 = arith.index_cast %scan3A_60 : i32 to index
      %swap3A_104 = arith.constant 96 : index
      %swap3A_105 = tpu.vector_load %arg8[%swap3A_103, %swap3A_104] {strides = array<i32>} : memref<128x128xf32, #tpu.memory_space<vmem>>, vector<1x16xf32>,
      %swap3A_106 = vector.shape_cast %swap3A_105 : vector<1x16xf32> to vector<16xf32>
      %swap3A_107 = vector.shape_cast %broadcast_in_dim3A_102 : vector<16xf32> to vector<1x16xf32>
      tpu.vector_store %arg8[%swap3A_103, %swap3A_104], %swap3A_107 {strides = array<i32>} : memref<128x128xf32, #tpu.memory_space<vmem>>, vector<1x16xf32>,
      %broadcast_in_dim3A_108 = arith.constant 0.000000e+00 : f32
      %broadcast_in_dim3A_109 = vector.broadcast %broadcast_in_dim3A_108 : f32 to vector<16xf32>
      %swap3A_110 = arith.index_cast %scan3A_60 : i32 to index
      %swap3A_111 = arith.constant 112 : index
      %swap3A_112 = tpu.vector_load %arg8[%swap3A_110, %swap3A_111] {strides = array<i32>} : memref<128x128xf32, #tpu.memory_space<vmem>>, vector<1x16xf32>,
      %swap3A_113 = vector.shape_cast %swap3A_112 : vector<1x16xf32> to vector<16xf32>
      %swap3A_114 = vector.shape_cast %broadcast_in_dim3A_109 : vector<16xf32> to vector<1x16xf32>
      tpu.vector_store %arg8[%swap3A_110, %swap3A_111], %swap3A_114 {strides = array<i32>} : memref<128x128xf32, #tpu.memory_space<vmem>>, vector<1x16xf32>,
    }
    %scan3A_5 = arith.constant 128 : i32
    %mul3A_6 = arith.constant 632 : i32
    %mul3A_7 = arith.muli %arg1, %mul3A_6 : i32
    %add3A_8 = arith.constant 0 : i32
    %add3A_9 = arith.addi %mul3A_7, %add3A_8 : i32
    "tpu.region"() ({
      %run_scoped3A = tpu.sem_alloc : memref<!tpu.dma_semaphore, #tpu.memory_space<semaphore_mem>>
      %dma_start3A_60 = arith.constant 0 : i32
      %dma_start3A_61 = arith.constant 0 : i32
      %dma_start3A_62 = tpu.memref_slice %arg8[%dma_start3A_60, %dma_start3A_61] : memref<128x128xf32, #tpu.memory_space<vmem>> -> memref<128x128xf32, #tpu.memory_space<vmem>>
      %dma_start3A_63 = arith.constant 0 : i32
      %dma_start3A_64 = tpu.memref_slice %arg12[%add3A_9, %dma_start3A_63] : memref<10112x128xf32, #tpu.memory_space<vmem_shared>> -> memref<128x128xf32, #tpu.memory_space<vmem_shared>>
      %dma_start3A_65 = arith.constant 0 : i32
      %dma_start3A_66 = tpu.memref_slice %arg12[%add3A_9, %dma_start3A_65] : memref<10112x128xf32, #tpu.memory_space<vmem_shared>> -> memref<128x128xf32, #tpu.memory_space<vmem_shared>>
      %dma_start3A_67 = arith.constant 0 : i32
      %dma_start3A_68 = arith.constant 0 : i32
      %dma_start3A_69 = tpu.memref_slice %arg8[%dma_start3A_67, %dma_start3A_68] : memref<128x128xf32, #tpu.memory_space<vmem>> -> memref<128x128xf32, #tpu.memory_space<vmem>>
      tpu.enqueue_dma source(%dma_start3A_69 : memref<128x128xf32, #tpu.memory_space<vmem>>) target(%dma_start3A_66 : memref<128x128xf32, #tpu.memory_space<vmem_shared>>) target_semaphore(%run_scoped3A : memref<!tpu.dma_semaphore, #tpu.memory_space<semaphore_mem>>)
      %dma_wait3A = arith.constant 0 : i32
      %dma_wait3A_70 = arith.constant 0 : i32
      %dma_wait3A_71 = tpu.memref_slice %arg8[%dma_wait3A, %dma_wait3A_70] : memref<128x128xf32, #tpu.memory_space<vmem>> -> memref<128x128xf32, #tpu.memory_space<vmem>>
      %dma_wait3A_72 = arith.constant 0 : i32
      %dma_wait3A_73 = tpu.memref_slice %arg12[%add3A_9, %dma_wait3A_72] : memref<10112x128xf32, #tpu.memory_space<vmem_shared>> -> memref<128x128xf32, #tpu.memory_space<vmem_shared>>
      %dma_wait3A_74 = arith.constant 0 : i32
      %dma_wait3A_75 = tpu.memref_slice %arg12[%add3A_9, %dma_wait3A_74] : memref<10112x128xf32, #tpu.memory_space<vmem_shared>> -> memref<128x128xf32, #tpu.memory_space<vmem_shared>>
      %dma_wait3A_76 = arith.constant 0 : i32
      %dma_wait3A_77 = arith.constant 0 : i32
      %dma_wait3A_78 = tpu.memref_slice %arg8[%dma_wait3A_76, %dma_wait3A_77] : memref<128x128xf32, #tpu.memory_space<vmem>> -> memref<128x128xf32, #tpu.memory_space<vmem>>
      tpu.wait_dma2 semaphore(%run_scoped3A : memref<!tpu.dma_semaphore, #tpu.memory_space<semaphore_mem>>) src(%dma_wait3A_78 : memref<128x128xf32, #tpu.memory_space<vmem>>) dst(%dma_wait3A_75 : memref<128x128xf32, #tpu.memory_space<vmem_shared>>)
      tpu.yield
    }) : () -> ()
    %add3A_10 = arith.constant 128 : i32
    %add3A_11 = arith.addi %mul3A_7, %add3A_10 : i32
    "tpu.region"() ({
      %run_scoped3A = tpu.sem_alloc : memref<!tpu.dma_semaphore, #tpu.memory_space<semaphore_mem>>
      %dma_start3A_60 = arith.constant 0 : i32
      %dma_start3A_61 = arith.constant 0 : i32
      %dma_start3A_62 = tpu.memref_slice %arg8[%dma_start3A_60, %dma_start3A_61] : memref<128x128xf32, #tpu.memory_space<vmem>> -> memref<128x128xf32, #tpu.memory_space<vmem>>
      %dma_start3A_63 = arith.constant 0 : i32
      %dma_start3A_64 = tpu.memref_slice %arg12[%add3A_11, %dma_start3A_63] : memref<10112x128xf32, #tpu.memory_space<vmem_shared>> -> memref<128x128xf32, #tpu.memory_space<vmem_shared>>
      %dma_start3A_65 = arith.constant 0 : i32
      %dma_start3A_66 = tpu.memref_slice %arg12[%add3A_11, %dma_start3A_65] : memref<10112x128xf32, #tpu.memory_space<vmem_shared>> -> memref<128x128xf32, #tpu.memory_space<vmem_shared>>
      %dma_start3A_67 = arith.constant 0 : i32
      %dma_start3A_68 = arith.constant 0 : i32
      %dma_start3A_69 = tpu.memref_slice %arg8[%dma_start3A_67, %dma_start3A_68] : memref<128x128xf32, #tpu.memory_space<vmem>> -> memref<128x128xf32, #tpu.memory_space<vmem>>
      tpu.enqueue_dma source(%dma_start3A_69 : memref<128x128xf32, #tpu.memory_space<vmem>>) target(%dma_start3A_66 : memref<128x128xf32, #tpu.memory_space<vmem_shared>>) target_semaphore(%run_scoped3A : memref<!tpu.dma_semaphore, #tpu.memory_space<semaphore_mem>>)
      %dma_wait3A = arith.constant 0 : i32
      %dma_wait3A_70 = arith.constant 0 : i32
      %dma_wait3A_71 = tpu.memref_slice %arg8[%dma_wait3A, %dma_wait3A_70] : memref<128x128xf32, #tpu.memory_space<vmem>> -> memref<128x128xf32, #tpu.memory_space<vmem>>
      %dma_wait3A_72 = arith.constant 0 : i32
      %dma_wait3A_73 = tpu.memref_slice %arg12[%add3A_11, %dma_wait3A_72] : memref<10112x128xf32, #tpu.memory_space<vmem_shared>> -> memref<128x128xf32, #tpu.memory_space<vmem_shared>>
      %dma_wait3A_74 = arith.constant 0 : i32
      %dma_wait3A_75 = tpu.memref_slice %arg12[%add3A_11, %dma_wait3A_74] : memref<10112x128xf32, #tpu.memory_space<vmem_shared>> -> memref<128x128xf32, #tpu.memory_space<vmem_shared>>
      %dma_wait3A_76 = arith.constant 0 : i32
      %dma_wait3A_77 = arith.constant 0 : i32
      %dma_wait3A_78 = tpu.memref_slice %arg8[%dma_wait3A_76, %dma_wait3A_77] : memref<128x128xf32, #tpu.memory_space<vmem>> -> memref<128x128xf32, #tpu.memory_space<vmem>>
      tpu.wait_dma2 semaphore(%run_scoped3A : memref<!tpu.dma_semaphore, #tpu.memory_space<semaphore_mem>>) src(%dma_wait3A_78 : memref<128x128xf32, #tpu.memory_space<vmem>>) dst(%dma_wait3A_75 : memref<128x128xf32, #tpu.memory_space<vmem_shared>>)
      tpu.yield
    }) : () -> ()
    %add3A_12 = arith.constant 256 : i32
    %add3A_13 = arith.addi %mul3A_7, %add3A_12 : i32
    "tpu.region"() ({
      %run_scoped3A = tpu.sem_alloc : memref<!tpu.dma_semaphore, #tpu.memory_space<semaphore_mem>>
      %dma_start3A_60 = arith.constant 0 : i32
      %dma_start3A_61 = arith.constant 0 : i32
      %dma_start3A_62 = tpu.memref_slice %arg8[%dma_start3A_60, %dma_start3A_61] : memref<128x128xf32, #tpu.memory_space<vmem>> -> memref<128x128xf32, #tpu.memory_space<vmem>>
      %dma_start3A_63 = arith.constant 0 : i32
      %dma_start3A_64 = tpu.memref_slice %arg12[%add3A_13, %dma_start3A_63] : memref<10112x128xf32, #tpu.memory_space<vmem_shared>> -> memref<128x128xf32, #tpu.memory_space<vmem_shared>>
      %dma_start3A_65 = arith.constant 0 : i32
      %dma_start3A_66 = tpu.memref_slice %arg12[%add3A_13, %dma_start3A_65] : memref<10112x128xf32, #tpu.memory_space<vmem_shared>> -> memref<128x128xf32, #tpu.memory_space<vmem_shared>>
      %dma_start3A_67 = arith.constant 0 : i32
      %dma_start3A_68 = arith.constant 0 : i32
      %dma_start3A_69 = tpu.memref_slice %arg8[%dma_start3A_67, %dma_start3A_68] : memref<128x128xf32, #tpu.memory_space<vmem>> -> memref<128x128xf32, #tpu.memory_space<vmem>>
      tpu.enqueue_dma source(%dma_start3A_69 : memref<128x128xf32, #tpu.memory_space<vmem>>) target(%dma_start3A_66 : memref<128x128xf32, #tpu.memory_space<vmem_shared>>) target_semaphore(%run_scoped3A : memref<!tpu.dma_semaphore, #tpu.memory_space<semaphore_mem>>)
      %dma_wait3A = arith.constant 0 : i32
      %dma_wait3A_70 = arith.constant 0 : i32
      %dma_wait3A_71 = tpu.memref_slice %arg8[%dma_wait3A, %dma_wait3A_70] : memref<128x128xf32, #tpu.memory_space<vmem>> -> memref<128x128xf32, #tpu.memory_space<vmem>>
      %dma_wait3A_72 = arith.constant 0 : i32
      %dma_wait3A_73 = tpu.memref_slice %arg12[%add3A_13, %dma_wait3A_72] : memref<10112x128xf32, #tpu.memory_space<vmem_shared>> -> memref<128x128xf32, #tpu.memory_space<vmem_shared>>
      %dma_wait3A_74 = arith.constant 0 : i32
      %dma_wait3A_75 = tpu.memref_slice %arg12[%add3A_13, %dma_wait3A_74] : memref<10112x128xf32, #tpu.memory_space<vmem_shared>> -> memref<128x128xf32, #tpu.memory_space<vmem_shared>>
      %dma_wait3A_76 = arith.constant 0 : i32
      %dma_wait3A_77 = arith.constant 0 : i32
      %dma_wait3A_78 = tpu.memref_slice %arg8[%dma_wait3A_76, %dma_wait3A_77] : memref<128x128xf32, #tpu.memory_space<vmem>> -> memref<128x128xf32, #tpu.memory_space<vmem>>
      tpu.wait_dma2 semaphore(%run_scoped3A : memref<!tpu.dma_semaphore, #tpu.memory_space<semaphore_mem>>) src(%dma_wait3A_78 : memref<128x128xf32, #tpu.memory_space<vmem>>) dst(%dma_wait3A_75 : memref<128x128xf32, #tpu.memory_space<vmem_shared>>)
      tpu.yield
    }) : () -> ()
    %add3A_14 = arith.constant 384 : i32
    %add3A_15 = arith.addi %mul3A_7, %add3A_14 : i32
    "tpu.region"() ({
      %run_scoped3A = tpu.sem_alloc : memref<!tpu.dma_semaphore, #tpu.memory_space<semaphore_mem>>
      %dma_start3A_60 = arith.constant 0 : i32
      %dma_start3A_61 = arith.constant 0 : i32
      %dma_start3A_62 = tpu.memref_slice %arg8[%dma_start3A_60, %dma_start3A_61] : memref<128x128xf32, #tpu.memory_space<vmem>> -> memref<128x128xf32, #tpu.memory_space<vmem>>
      %dma_start3A_63 = arith.constant 0 : i32
      %dma_start3A_64 = tpu.memref_slice %arg12[%add3A_15, %dma_start3A_63] : memref<10112x128xf32, #tpu.memory_space<vmem_shared>> -> memref<128x128xf32, #tpu.memory_space<vmem_shared>>
      %dma_start3A_65 = arith.constant 0 : i32
      %dma_start3A_66 = tpu.memref_slice %arg12[%add3A_15, %dma_start3A_65] : memref<10112x128xf32, #tpu.memory_space<vmem_shared>> -> memref<128x128xf32, #tpu.memory_space<vmem_shared>>
      %dma_start3A_67 = arith.constant 0 : i32
      %dma_start3A_68 = arith.constant 0 : i32
      %dma_start3A_69 = tpu.memref_slice %arg8[%dma_start3A_67, %dma_start3A_68] : memref<128x128xf32, #tpu.memory_space<vmem>> -> memref<128x128xf32, #tpu.memory_space<vmem>>
      tpu.enqueue_dma source(%dma_start3A_69 : memref<128x128xf32, #tpu.memory_space<vmem>>) target(%dma_start3A_66 : memref<128x128xf32, #tpu.memory_space<vmem_shared>>) target_semaphore(%run_scoped3A : memref<!tpu.dma_semaphore, #tpu.memory_space<semaphore_mem>>)
      %dma_wait3A = arith.constant 0 : i32
      %dma_wait3A_70 = arith.constant 0 : i32
      %dma_wait3A_71 = tpu.memref_slice %arg8[%dma_wait3A, %dma_wait3A_70] : memref<128x128xf32, #tpu.memory_space<vmem>> -> memref<128x128xf32, #tpu.memory_space<vmem>>
      %dma_wait3A_72 = arith.constant 0 : i32
      %dma_wait3A_73 = tpu.memref_slice %arg12[%add3A_15, %dma_wait3A_72] : memref<10112x128xf32, #tpu.memory_space<vmem_shared>> -> memref<128x128xf32, #tpu.memory_space<vmem_shared>>
      %dma_wait3A_74 = arith.constant 0 : i32
      %dma_wait3A_75 = tpu.memref_slice %arg12[%add3A_15, %dma_wait3A_74] : memref<10112x128xf32, #tpu.memory_space<vmem_shared>> -> memref<128x128xf32, #tpu.memory_space<vmem_shared>>
      %dma_wait3A_76 = arith.constant 0 : i32
      %dma_wait3A_77 = arith.constant 0 : i32
      %dma_wait3A_78 = tpu.memref_slice %arg8[%dma_wait3A_76, %dma_wait3A_77] : memref<128x128xf32, #tpu.memory_space<vmem>> -> memref<128x128xf32, #tpu.memory_space<vmem>>
      tpu.wait_dma2 semaphore(%run_scoped3A : memref<!tpu.dma_semaphore, #tpu.memory_space<semaphore_mem>>) src(%dma_wait3A_78 : memref<128x128xf32, #tpu.memory_space<vmem>>) dst(%dma_wait3A_75 : memref<128x128xf32, #tpu.memory_space<vmem_shared>>)
      tpu.yield
    }) : () -> ()
    %add3A_16 = arith.constant 512 : i32
    %add3A_17 = arith.addi %mul3A_7, %add3A_16 : i32
    "tpu.region"() ({
      %run_scoped3A = tpu.sem_alloc : memref<!tpu.dma_semaphore, #tpu.memory_space<semaphore_mem>>
      %dma_start3A_60 = arith.constant 0 : i32
      %dma_start3A_61 = arith.constant 0 : i32
      %dma_start3A_62 = tpu.memref_slice %arg8[%dma_start3A_60, %dma_start3A_61] : memref<128x128xf32, #tpu.memory_space<vmem>> -> memref<120x128xf32, #tpu.memory_space<vmem>>
      %dma_start3A_63 = arith.constant 0 : i32
      %dma_start3A_64 = tpu.memref_slice %arg12[%add3A_17, %dma_start3A_63] : memref<10112x128xf32, #tpu.memory_space<vmem_shared>> -> memref<120x128xf32, #tpu.memory_space<vmem_shared>>
      %dma_start3A_65 = arith.constant 0 : i32
      %dma_start3A_66 = tpu.memref_slice %arg12[%add3A_17, %dma_start3A_65] : memref<10112x128xf32, #tpu.memory_space<vmem_shared>> -> memref<120x128xf32, #tpu.memory_space<vmem_shared>>
      %dma_start3A_67 = arith.constant 0 : i32
      %dma_start3A_68 = arith.constant 0 : i32
      %dma_start3A_69 = tpu.memref_slice %arg8[%dma_start3A_67, %dma_start3A_68] : memref<128x128xf32, #tpu.memory_space<vmem>> -> memref<120x128xf32, #tpu.memory_space<vmem>>
      tpu.enqueue_dma source(%dma_start3A_69 : memref<120x128xf32, #tpu.memory_space<vmem>>) target(%dma_start3A_66 : memref<120x128xf32, #tpu.memory_space<vmem_shared>>) target_semaphore(%run_scoped3A : memref<!tpu.dma_semaphore, #tpu.memory_space<semaphore_mem>>)
      %dma_wait3A = arith.constant 0 : i32
      %dma_wait3A_70 = arith.constant 0 : i32
      %dma_wait3A_71 = tpu.memref_slice %arg8[%dma_wait3A, %dma_wait3A_70] : memref<128x128xf32, #tpu.memory_space<vmem>> -> memref<120x128xf32, #tpu.memory_space<vmem>>
      %dma_wait3A_72 = arith.constant 0 : i32
      %dma_wait3A_73 = tpu.memref_slice %arg12[%add3A_17, %dma_wait3A_72] : memref<10112x128xf32, #tpu.memory_space<vmem_shared>> -> memref<120x128xf32, #tpu.memory_space<vmem_shared>>
      %dma_wait3A_74 = arith.constant 0 : i32
      %dma_wait3A_75 = tpu.memref_slice %arg12[%add3A_17, %dma_wait3A_74] : memref<10112x128xf32, #tpu.memory_space<vmem_shared>> -> memref<120x128xf32, #tpu.memory_space<vmem_shared>>
      %dma_wait3A_76 = arith.constant 0 : i32
      %dma_wait3A_77 = arith.constant 0 : i32
      %dma_wait3A_78 = tpu.memref_slice %arg8[%dma_wait3A_76, %dma_wait3A_77] : memref<128x128xf32, #tpu.memory_space<vmem>> -> memref<120x128xf32, #tpu.memory_space<vmem>>
      tpu.wait_dma2 semaphore(%run_scoped3A : memref<!tpu.dma_semaphore, #tpu.memory_space<semaphore_mem>>) src(%dma_wait3A_78 : memref<120x128xf32, #tpu.memory_space<vmem>>) dst(%dma_wait3A_75 : memref<120x128xf32, #tpu.memory_space<vmem_shared>>)
      tpu.yield
    }) : () -> ()
    "tpu.region"() ({
      %run_scoped3A = tpu.sem_alloc : memref<!tpu.dma_semaphore, #tpu.memory_space<semaphore_mem>>
      %dma_start3A_60 = arith.constant 0 : i32
      %dma_start3A_61 = arith.constant 0 : i32
      %dma_start3A_62 = tpu.memref_slice %arg2[%add3A, %dma_start3A_60, %dma_start3A_61] : memref<32x80x128xi32, #tpu.memory_space<hbm>> -> memref<1x40x128xi32, #tpu.memory_space<hbm>>
      %dma_start3A_63 = tpu.memref_squeeze %dma_start3A_62 : memref<1x40x128xi32, #tpu.memory_space<hbm>> -> memref<40x128xi32, #tpu.memory_space<hbm>>
      %dma_start3A_64 = arith.constant 0 : i32
      %dma_start3A_65 = arith.constant 0 : i32
      %dma_start3A_66 = tpu.memref_slice %arg2[%add3A, %dma_start3A_64, %dma_start3A_65] : memref<32x80x128xi32, #tpu.memory_space<hbm>> -> memref<1x40x128xi32, #tpu.memory_space<hbm>>
      %dma_start3A_67 = tpu.memref_squeeze %dma_start3A_66 : memref<1x40x128xi32, #tpu.memory_space<hbm>> -> memref<40x128xi32, #tpu.memory_space<hbm>>
      tpu.enqueue_dma source(%dma_start3A_67 : memref<40x128xi32, #tpu.memory_space<hbm>>) target(%arg6 : memref<40x128xi32, #tpu.memory_space<vmem>>) target_semaphore(%run_scoped3A : memref<!tpu.dma_semaphore, #tpu.memory_space<semaphore_mem>>)
      %dma_wait3A = arith.constant 0 : i32
      %dma_wait3A_68 = arith.constant 0 : i32
      %dma_wait3A_69 = tpu.memref_slice %arg2[%add3A, %dma_wait3A, %dma_wait3A_68] : memref<32x80x128xi32, #tpu.memory_space<hbm>> -> memref<1x40x128xi32, #tpu.memory_space<hbm>>
      %dma_wait3A_70 = tpu.memref_squeeze %dma_wait3A_69 : memref<1x40x128xi32, #tpu.memory_space<hbm>> -> memref<40x128xi32, #tpu.memory_space<hbm>>
      %dma_wait3A_71 = arith.constant 0 : i32
      %dma_wait3A_72 = arith.constant 0 : i32
      %dma_wait3A_73 = tpu.memref_slice %arg2[%add3A, %dma_wait3A_71, %dma_wait3A_72] : memref<32x80x128xi32, #tpu.memory_space<hbm>> -> memref<1x40x128xi32, #tpu.memory_space<hbm>>
      %dma_wait3A_74 = tpu.memref_squeeze %dma_wait3A_73 : memref<1x40x128xi32, #tpu.memory_space<hbm>> -> memref<40x128xi32, #tpu.memory_space<hbm>>
      tpu.wait_dma2 semaphore(%run_scoped3A : memref<!tpu.dma_semaphore, #tpu.memory_space<semaphore_mem>>) src(%dma_wait3A_74 : memref<40x128xi32, #tpu.memory_space<hbm>>) dst(%arg6 : memref<40x128xi32, #tpu.memory_space<vmem>>)
      tpu.yield
    }) : () -> ()
    "tpu.region"() ({
      %run_scoped3A = tpu.sem_alloc : memref<!tpu.dma_semaphore, #tpu.memory_space<semaphore_mem>>
      %dma_start3A_60 = arith.constant 0 : i32
      %dma_start3A_61 = arith.constant 0 : i32
      %dma_start3A_62 = tpu.memref_slice %arg3[%add3A, %dma_start3A_60, %dma_start3A_61] : memref<32x80x128xi32, #tpu.memory_space<hbm>> -> memref<1x40x128xi32, #tpu.memory_space<hbm>>
      %dma_start3A_63 = tpu.memref_squeeze %dma_start3A_62 : memref<1x40x128xi32, #tpu.memory_space<hbm>> -> memref<40x128xi32, #tpu.memory_space<hbm>>
      %dma_start3A_64 = arith.constant 0 : i32
      %dma_start3A_65 = arith.constant 0 : i32
      %dma_start3A_66 = tpu.memref_slice %arg3[%add3A, %dma_start3A_64, %dma_start3A_65] : memref<32x80x128xi32, #tpu.memory_space<hbm>> -> memref<1x40x128xi32, #tpu.memory_space<hbm>>
      %dma_start3A_67 = tpu.memref_squeeze %dma_start3A_66 : memref<1x40x128xi32, #tpu.memory_space<hbm>> -> memref<40x128xi32, #tpu.memory_space<hbm>>
      tpu.enqueue_dma source(%dma_start3A_67 : memref<40x128xi32, #tpu.memory_space<hbm>>) target(%arg7 : memref<40x128xi32, #tpu.memory_space<vmem>>) target_semaphore(%run_scoped3A : memref<!tpu.dma_semaphore, #tpu.memory_space<semaphore_mem>>)
      %dma_wait3A = arith.constant 0 : i32
      %dma_wait3A_68 = arith.constant 0 : i32
      %dma_wait3A_69 = tpu.memref_slice %arg3[%add3A, %dma_wait3A, %dma_wait3A_68] : memref<32x80x128xi32, #tpu.memory_space<hbm>> -> memref<1x40x128xi32, #tpu.memory_space<hbm>>
      %dma_wait3A_70 = tpu.memref_squeeze %dma_wait3A_69 : memref<1x40x128xi32, #tpu.memory_space<hbm>> -> memref<40x128xi32, #tpu.memory_space<hbm>>
      %dma_wait3A_71 = arith.constant 0 : i32
      %dma_wait3A_72 = arith.constant 0 : i32
      %dma_wait3A_73 = tpu.memref_slice %arg3[%add3A, %dma_wait3A_71, %dma_wait3A_72] : memref<32x80x128xi32, #tpu.memory_space<hbm>> -> memref<1x40x128xi32, #tpu.memory_space<hbm>>
      %dma_wait3A_74 = tpu.memref_squeeze %dma_wait3A_73 : memref<1x40x128xi32, #tpu.memory_space<hbm>> -> memref<40x128xi32, #tpu.memory_space<hbm>>
      tpu.wait_dma2 semaphore(%run_scoped3A : memref<!tpu.dma_semaphore, #tpu.memory_space<semaphore_mem>>) src(%dma_wait3A_74 : memref<40x128xi32, #tpu.memory_space<hbm>>) dst(%arg7 : memref<40x128xi32, #tpu.memory_space<vmem>>)
      tpu.yield
    }) : () -> ()
    %barrier3A = arith.constant 0 : index
    tpu.barrier barrier_id(%barrier3A)
    %dma_start3A = arith.constant 0 : i32
    %dma_start3A_18 = arith.constant 0 : i32
    %dma_start3A_19 = tpu.memref_slice %arg6[%dma_start3A, %dma_start3A_18] : memref<40x128xi32, #tpu.memory_space<vmem>> -> memref<1x128xi32, #tpu.memory_space<vmem>>
    %dma_start3A_20 = tpu.memref_squeeze %dma_start3A_19 : memref<1x128xi32, #tpu.memory_space<vmem>> -> memref<128xi32, #tpu.memory_space<vmem>>
    %dma_start3A_21 = arith.constant 0 : i32
    %dma_start3A_22 = arith.constant 0 : i32
    %dma_start3A_23 = tpu.memref_slice %arg4[%dma_start3A_21, %dma_start3A_22] : memref<10112x128xf32, #tpu.memory_space<hbm>> -> memref<10112x128xf32, #tpu.memory_space<hbm>>
    tpu.enqueue_indirect_dma source(%dma_start3A_23 : memref<10112x128xf32, #tpu.memory_space<hbm>>) target(%arg8 : memref<128x128xf32, #tpu.memory_space<vmem>>) offsets(%dma_start3A_20 : memref<128xi32, #tpu.memory_space<vmem>>) semaphore(%arg10 : memref<!tpu.dma_semaphore, #tpu.memory_space<semaphore_mem>>)
    %dma_start3A_24 = arith.constant 1 : i32
    %dma_start3A_25 = arith.constant 0 : i32
    %dma_start3A_26 = tpu.memref_slice %arg6[%dma_start3A_24, %dma_start3A_25] : memref<40x128xi32, #tpu.memory_space<vmem>> -> memref<1x128xi32, #tpu.memory_space<vmem>>
    %dma_start3A_27 = tpu.memref_squeeze %dma_start3A_26 : memref<1x128xi32, #tpu.memory_space<vmem>> -> memref<128xi32, #tpu.memory_space<vmem>>
    %dma_start3A_28 = arith.constant 0 : i32
    %dma_start3A_29 = arith.constant 0 : i32
    %dma_start3A_30 = tpu.memref_slice %arg4[%dma_start3A_28, %dma_start3A_29] : memref<10112x128xf32, #tpu.memory_space<hbm>> -> memref<10112x128xf32, #tpu.memory_space<hbm>>
    tpu.enqueue_indirect_dma source(%dma_start3A_30 : memref<10112x128xf32, #tpu.memory_space<hbm>>) target(%arg9 : memref<128x128xf32, #tpu.memory_space<vmem>>) offsets(%dma_start3A_27 : memref<128xi32, #tpu.memory_space<vmem>>) semaphore(%arg11 : memref<!tpu.dma_semaphore, #tpu.memory_space<semaphore_mem>>)
    %scan3A_31 = arith.constant 0 : i32
    %scan3A_32 = arith.constant 0 : i32
    %scan3A_33 = arith.constant 20 : i32
    %scan3A_34 = arith.addi %scan3A_32, %scan3A_33 : i32
    %scan3A_35 = arith.constant 1 : i32
    scf.for %scan3A_60 = %scan3A_32 to %scan3A_34 step %scan3A_35  : i32 {
      %mul3A_61 = arith.constant 2 : i32
      %mul3A_62 = arith.muli %mul3A_61, %scan3A_60 : i32
      %add3A_63 = arith.constant 0 : i32
      %add3A_64 = arith.addi %mul3A_62, %add3A_63 : i32
      %dma_wait3A = arith.constant 0 : i32
      %dma_wait3A_65 = tpu.memref_slice %arg6[%add3A_64, %dma_wait3A] : memref<40x128xi32, #tpu.memory_space<vmem>> -> memref<1x128xi32, #tpu.memory_space<vmem>>
      %dma_wait3A_66 = tpu.memref_squeeze %dma_wait3A_65 : memref<1x128xi32, #tpu.memory_space<vmem>> -> memref<128xi32, #tpu.memory_space<vmem>>
      %dma_wait3A_67 = arith.constant 0 : i32
      %dma_wait3A_68 = arith.constant 0 : i32
      %dma_wait3A_69 = tpu.memref_slice %arg4[%dma_wait3A_67, %dma_wait3A_68] : memref<10112x128xf32, #tpu.memory_space<hbm>> -> memref<10112x128xf32, #tpu.memory_space<hbm>>
      tpu.wait_indirect_dma semaphore(%arg10 : memref<!tpu.dma_semaphore, #tpu.memory_space<semaphore_mem>>) src(%dma_wait3A_69 : memref<10112x128xf32, #tpu.memory_space<hbm>>) dst(%arg8 : memref<128x128xf32, #tpu.memory_space<vmem>>)
      "tpu.region"() ({
        %run_scoped3A = tpu.sem_alloc : memref<!tpu.dma_semaphore, #tpu.memory_space<semaphore_mem>>
        %dma_start3A_93 = arith.constant 0 : i32
        %dma_start3A_94 = tpu.memref_slice %arg7[%add3A_64, %dma_start3A_93] : memref<40x128xi32, #tpu.memory_space<vmem>> -> memref<1x128xi32, #tpu.memory_space<vmem>>
        %dma_start3A_95 = tpu.memref_squeeze %dma_start3A_94 : memref<1x128xi32, #tpu.memory_space<vmem>> -> memref<128xi32, #tpu.memory_space<vmem>>
        %dma_start3A_96 = arith.constant 0 : i32
        %dma_start3A_97 = arith.constant 0 : i32
        %dma_start3A_98 = tpu.memref_slice %arg12[%dma_start3A_96, %dma_start3A_97] : memref<10112x128xf32, #tpu.memory_space<vmem_shared>> -> memref<10112x128xf32, #tpu.memory_space<vmem_shared>>
        tpu.enqueue_indirect_dma source(%arg8 : memref<128x128xf32, #tpu.memory_space<vmem>>) target(%dma_start3A_98 : memref<10112x128xf32, #tpu.memory_space<vmem_shared>>) offsets(%dma_start3A_95 : memref<128xi32, #tpu.memory_space<vmem>>) semaphore(%run_scoped3A : memref<!tpu.dma_semaphore, #tpu.memory_space<semaphore_mem>>) {add = true}
        %dma_wait3A_99 = arith.constant 0 : i32
        %dma_wait3A_100 = tpu.memref_slice %arg7[%add3A_64, %dma_wait3A_99] : memref<40x128xi32, #tpu.memory_space<vmem>> -> memref<1x128xi32, #tpu.memory_space<vmem>>
        %dma_wait3A_101 = tpu.memref_squeeze %dma_wait3A_100 : memref<1x128xi32, #tpu.memory_space<vmem>> -> memref<128xi32, #tpu.memory_space<vmem>>
        %dma_wait3A_102 = arith.constant 0 : i32
        %dma_wait3A_103 = arith.constant 0 : i32
        %dma_wait3A_104 = tpu.memref_slice %arg12[%dma_wait3A_102, %dma_wait3A_103] : memref<10112x128xf32, #tpu.memory_space<vmem_shared>> -> memref<10112x128xf32, #tpu.memory_space<vmem_shared>>
        tpu.wait_indirect_dma semaphore(%run_scoped3A : memref<!tpu.dma_semaphore, #tpu.memory_space<semaphore_mem>>) src(%arg8 : memref<128x128xf32, #tpu.memory_space<vmem>>) dst(%dma_wait3A_104 : memref<10112x128xf32, #tpu.memory_space<vmem_shared>>)
        tpu.yield
      }) : () -> ()
      %add3A_70 = arith.constant 2 : i32
      %add3A_71 = arith.addi %add3A_64, %add3A_70 : i32
      %lt3A = arith.constant 40 : i32
      %lt3A_72 = arith.cmpi slt, %add3A_71, %lt3A : i32
      %convert_element_type3A_73 = arith.extui %lt3A_72 : i1 to i32
      %cond3A_74 = arith.constant 0 : i32
      %cond3A_75 = arith.cmpi ne, %convert_element_type3A_73, %cond3A_74 : i32
      scf.if %cond3A_75 {
        %dma_start3A_93 = arith.constant 0 : i32
        %dma_start3A_94 = tpu.memref_slice %arg6[%add3A_71, %dma_start3A_93] : memref<40x128xi32, #tpu.memory_space<vmem>> -> memref<1x128xi32, #tpu.memory_space<vmem>>
        %dma_start3A_95 = tpu.memref_squeeze %dma_start3A_94 : memref<1x128xi32, #tpu.memory_space<vmem>> -> memref<128xi32, #tpu.memory_space<vmem>>
        %dma_start3A_96 = arith.constant 0 : i32
        %dma_start3A_97 = arith.constant 0 : i32
        %dma_start3A_98 = tpu.memref_slice %arg4[%dma_start3A_96, %dma_start3A_97] : memref<10112x128xf32, #tpu.memory_space<hbm>> -> memref<10112x128xf32, #tpu.memory_space<hbm>>
        tpu.enqueue_indirect_dma source(%dma_start3A_98 : memref<10112x128xf32, #tpu.memory_space<hbm>>) target(%arg8 : memref<128x128xf32, #tpu.memory_space<vmem>>) offsets(%dma_start3A_95 : memref<128xi32, #tpu.memory_space<vmem>>) semaphore(%arg10 : memref<!tpu.dma_semaphore, #tpu.memory_space<semaphore_mem>>)
      } else {
      }
      %mul3A_76 = arith.constant 2 : i32
      %mul3A_77 = arith.muli %mul3A_76, %scan3A_60 : i32
      %add3A_78 = arith.constant 1 : i32
      %add3A_79 = arith.addi %mul3A_77, %add3A_78 : i32
      %dma_wait3A_80 = arith.constant 0 : i32
      %dma_wait3A_81 = tpu.memref_slice %arg6[%add3A_79, %dma_wait3A_80] : memref<40x128xi32, #tpu.memory_space<vmem>> -> memref<1x128xi32, #tpu.memory_space<vmem>>
      %dma_wait3A_82 = tpu.memref_squeeze %dma_wait3A_81 : memref<1x128xi32, #tpu.memory_space<vmem>> -> memref<128xi32, #tpu.memory_space<vmem>>
      %dma_wait3A_83 = arith.constant 0 : i32
      %dma_wait3A_84 = arith.constant 0 : i32
      %dma_wait3A_85 = tpu.memref_slice %arg4[%dma_wait3A_83, %dma_wait3A_84] : memref<10112x128xf32, #tpu.memory_space<hbm>> -> memref<10112x128xf32, #tpu.memory_space<hbm>>
      tpu.wait_indirect_dma semaphore(%arg11 : memref<!tpu.dma_semaphore, #tpu.memory_space<semaphore_mem>>) src(%dma_wait3A_85 : memref<10112x128xf32, #tpu.memory_space<hbm>>) dst(%arg9 : memref<128x128xf32, #tpu.memory_space<vmem>>)
      "tpu.region"() ({
        %run_scoped3A = tpu.sem_alloc : memref<!tpu.dma_semaphore, #tpu.memory_space<semaphore_mem>>
        %dma_start3A_93 = arith.constant 0 : i32
        %dma_start3A_94 = tpu.memref_slice %arg7[%add3A_79, %dma_start3A_93] : memref<40x128xi32, #tpu.memory_space<vmem>> -> memref<1x128xi32, #tpu.memory_space<vmem>>
        %dma_start3A_95 = tpu.memref_squeeze %dma_start3A_94 : memref<1x128xi32, #tpu.memory_space<vmem>> -> memref<128xi32, #tpu.memory_space<vmem>>
        %dma_start3A_96 = arith.constant 0 : i32
        %dma_start3A_97 = arith.constant 0 : i32
        %dma_start3A_98 = tpu.memref_slice %arg12[%dma_start3A_96, %dma_start3A_97] : memref<10112x128xf32, #tpu.memory_space<vmem_shared>> -> memref<10112x128xf32, #tpu.memory_space<vmem_shared>>
        tpu.enqueue_indirect_dma source(%arg9 : memref<128x128xf32, #tpu.memory_space<vmem>>) target(%dma_start3A_98 : memref<10112x128xf32, #tpu.memory_space<vmem_shared>>) offsets(%dma_start3A_95 : memref<128xi32, #tpu.memory_space<vmem>>) semaphore(%run_scoped3A : memref<!tpu.dma_semaphore, #tpu.memory_space<semaphore_mem>>) {add = true}
        %dma_wait3A_99 = arith.constant 0 : i32
        %dma_wait3A_100 = tpu.memref_slice %arg7[%add3A_79, %dma_wait3A_99] : memref<40x128xi32, #tpu.memory_space<vmem>> -> memref<1x128xi32, #tpu.memory_space<vmem>>
        %dma_wait3A_101 = tpu.memref_squeeze %dma_wait3A_100 : memref<1x128xi32, #tpu.memory_space<vmem>> -> memref<128xi32, #tpu.memory_space<vmem>>
        %dma_wait3A_102 = arith.constant 0 : i32
        %dma_wait3A_103 = arith.constant 0 : i32
        %dma_wait3A_104 = tpu.memref_slice %arg12[%dma_wait3A_102, %dma_wait3A_103] : memref<10112x128xf32, #tpu.memory_space<vmem_shared>> -> memref<10112x128xf32, #tpu.memory_space<vmem_shared>>
        tpu.wait_indirect_dma semaphore(%run_scoped3A : memref<!tpu.dma_semaphore, #tpu.memory_space<semaphore_mem>>) src(%arg9 : memref<128x128xf32, #tpu.memory_space<vmem>>) dst(%dma_wait3A_104 : memref<10112x128xf32, #tpu.memory_space<vmem_shared>>)
        tpu.yield
      }) : () -> ()
      %add3A_86 = arith.constant 2 : i32
      %add3A_87 = arith.addi %add3A_79, %add3A_86 : i32
      %lt3A_88 = arith.constant 40 : i32
      %lt3A_89 = arith.cmpi slt, %add3A_87, %lt3A_88 : i32
      %convert_element_type3A_90 = arith.extui %lt3A_89 : i1 to i32
      %cond3A_91 = arith.constant 0 : i32
      %cond3A_92 = arith.cmpi ne, %convert_element_type3A_90, %cond3A_91 : i32
      scf.if %cond3A_92 {
        %dma_start3A_93 = arith.constant 0 : i32
        %dma_start3A_94 = tpu.memref_slice %arg6[%add3A_87, %dma_start3A_93] : memref<40x128xi32, #tpu.memory_space<vmem>> -> memref<1x128xi32, #tpu.memory_space<vmem>>
        %dma_start3A_95 = tpu.memref_squeeze %dma_start3A_94 : memref<1x128xi32, #tpu.memory_space<vmem>> -> memref<128xi32, #tpu.memory_space<vmem>>
        %dma_start3A_96 = arith.constant 0 : i32
        %dma_start3A_97 = arith.constant 0 : i32
        %dma_start3A_98 = tpu.memref_slice %arg4[%dma_start3A_96, %dma_start3A_97] : memref<10112x128xf32, #tpu.memory_space<hbm>> -> memref<10112x128xf32, #tpu.memory_space<hbm>>
        tpu.enqueue_indirect_dma source(%dma_start3A_98 : memref<10112x128xf32, #tpu.memory_space<hbm>>) target(%arg9 : memref<128x128xf32, #tpu.memory_space<vmem>>) offsets(%dma_start3A_95 : memref<128xi32, #tpu.memory_space<vmem>>) semaphore(%arg11 : memref<!tpu.dma_semaphore, #tpu.memory_space<semaphore_mem>>)
      } else {
      }
    }
    %scan3A_36 = arith.constant 20 : i32
    "tpu.region"() ({
      %run_scoped3A = tpu.sem_alloc : memref<!tpu.dma_semaphore, #tpu.memory_space<semaphore_mem>>
      %dma_start3A_60 = arith.constant 40 : i32
      %dma_start3A_61 = arith.constant 0 : i32
      %dma_start3A_62 = tpu.memref_slice %arg2[%add3A, %dma_start3A_60, %dma_start3A_61] : memref<32x80x128xi32, #tpu.memory_space<hbm>> -> memref<1x40x128xi32, #tpu.memory_space<hbm>>
      %dma_start3A_63 = tpu.memref_squeeze %dma_start3A_62 : memref<1x40x128xi32, #tpu.memory_space<hbm>> -> memref<40x128xi32, #tpu.memory_space<hbm>>
      %dma_start3A_64 = arith.constant 40 : i32
      %dma_start3A_65 = arith.constant 0 : i32
      %dma_start3A_66 = tpu.memref_slice %arg2[%add3A, %dma_start3A_64, %dma_start3A_65] : memref<32x80x128xi32, #tpu.memory_space<hbm>> -> memref<1x40x128xi32, #tpu.memory_space<hbm>>
      %dma_start3A_67 = tpu.memref_squeeze %dma_start3A_66 : memref<1x40x128xi32, #tpu.memory_space<hbm>> -> memref<40x128xi32, #tpu.memory_space<hbm>>
      tpu.enqueue_dma source(%dma_start3A_67 : memref<40x128xi32, #tpu.memory_space<hbm>>) target(%arg6 : memref<40x128xi32, #tpu.memory_space<vmem>>) target_semaphore(%run_scoped3A : memref<!tpu.dma_semaphore, #tpu.memory_space<semaphore_mem>>)
      %dma_wait3A = arith.constant 40 : i32
      %dma_wait3A_68 = arith.constant 0 : i32
      %dma_wait3A_69 = tpu.memref_slice %arg2[%add3A, %dma_wait3A, %dma_wait3A_68] : memref<32x80x128xi32, #tpu.memory_space<hbm>> -> memref<1x40x128xi32, #tpu.memory_space<hbm>>
      %dma_wait3A_70 = tpu.memref_squeeze %dma_wait3A_69 : memref<1x40x128xi32, #tpu.memory_space<hbm>> -> memref<40x128xi32, #tpu.memory_space<hbm>>
      %dma_wait3A_71 = arith.constant 40 : i32
      %dma_wait3A_72 = arith.constant 0 : i32
      %dma_wait3A_73 = tpu.memref_slice %arg2[%add3A, %dma_wait3A_71, %dma_wait3A_72] : memref<32x80x128xi32, #tpu.memory_space<hbm>> -> memref<1x40x128xi32, #tpu.memory_space<hbm>>
      %dma_wait3A_74 = tpu.memref_squeeze %dma_wait3A_73 : memref<1x40x128xi32, #tpu.memory_space<hbm>> -> memref<40x128xi32, #tpu.memory_space<hbm>>
      tpu.wait_dma2 semaphore(%run_scoped3A : memref<!tpu.dma_semaphore, #tpu.memory_space<semaphore_mem>>) src(%dma_wait3A_74 : memref<40x128xi32, #tpu.memory_space<hbm>>) dst(%arg6 : memref<40x128xi32, #tpu.memory_space<vmem>>)
      tpu.yield
    }) : () -> ()
    "tpu.region"() ({
      %run_scoped3A = tpu.sem_alloc : memref<!tpu.dma_semaphore, #tpu.memory_space<semaphore_mem>>
      %dma_start3A_60 = arith.constant 40 : i32
      %dma_start3A_61 = arith.constant 0 : i32
      %dma_start3A_62 = tpu.memref_slice %arg3[%add3A, %dma_start3A_60, %dma_start3A_61] : memref<32x80x128xi32, #tpu.memory_space<hbm>> -> memref<1x40x128xi32, #tpu.memory_space<hbm>>
      %dma_start3A_63 = tpu.memref_squeeze %dma_start3A_62 : memref<1x40x128xi32, #tpu.memory_space<hbm>> -> memref<40x128xi32, #tpu.memory_space<hbm>>
      %dma_start3A_64 = arith.constant 40 : i32
      %dma_start3A_65 = arith.constant 0 : i32
      %dma_start3A_66 = tpu.memref_slice %arg3[%add3A, %dma_start3A_64, %dma_start3A_65] : memref<32x80x128xi32, #tpu.memory_space<hbm>> -> memref<1x40x128xi32, #tpu.memory_space<hbm>>
      %dma_start3A_67 = tpu.memref_squeeze %dma_start3A_66 : memref<1x40x128xi32, #tpu.memory_space<hbm>> -> memref<40x128xi32, #tpu.memory_space<hbm>>
      tpu.enqueue_dma source(%dma_start3A_67 : memref<40x128xi32, #tpu.memory_space<hbm>>) target(%arg7 : memref<40x128xi32, #tpu.memory_space<vmem>>) target_semaphore(%run_scoped3A : memref<!tpu.dma_semaphore, #tpu.memory_space<semaphore_mem>>)
      %dma_wait3A = arith.constant 40 : i32
      %dma_wait3A_68 = arith.constant 0 : i32
      %dma_wait3A_69 = tpu.memref_slice %arg3[%add3A, %dma_wait3A, %dma_wait3A_68] : memref<32x80x128xi32, #tpu.memory_space<hbm>> -> memref<1x40x128xi32, #tpu.memory_space<hbm>>
      %dma_wait3A_70 = tpu.memref_squeeze %dma_wait3A_69 : memref<1x40x128xi32, #tpu.memory_space<hbm>> -> memref<40x128xi32, #tpu.memory_space<hbm>>
      %dma_wait3A_71 = arith.constant 40 : i32
      %dma_wait3A_72 = arith.constant 0 : i32
      %dma_wait3A_73 = tpu.memref_slice %arg3[%add3A, %dma_wait3A_71, %dma_wait3A_72] : memref<32x80x128xi32, #tpu.memory_space<hbm>> -> memref<1x40x128xi32, #tpu.memory_space<hbm>>
      %dma_wait3A_74 = tpu.memref_squeeze %dma_wait3A_73 : memref<1x40x128xi32, #tpu.memory_space<hbm>> -> memref<40x128xi32, #tpu.memory_space<hbm>>
      tpu.wait_dma2 semaphore(%run_scoped3A : memref<!tpu.dma_semaphore, #tpu.memory_space<semaphore_mem>>) src(%dma_wait3A_74 : memref<40x128xi32, #tpu.memory_space<hbm>>) dst(%arg7 : memref<40x128xi32, #tpu.memory_space<vmem>>)
      tpu.yield
    }) : () -> ()
    %dma_start3A_37 = arith.constant 0 : i32
    %dma_start3A_38 = arith.constant 0 : i32
    %dma_start3A_39 = tpu.memref_slice %arg6[%dma_start3A_37, %dma_start3A_38] : memref<40x128xi32, #tpu.memory_space<vmem>> -> memref<1x128xi32, #tpu.memory_space<vmem>>
    %dma_start3A_40 = tpu.memref_squeeze %dma_start3A_39 : memref<1x128xi32, #tpu.memory_space<vmem>> -> memref<128xi32, #tpu.memory_space<vmem>>
    %dma_start3A_41 = arith.constant 0 : i32
    %dma_start3A_42 = arith.constant 0 : i32
    %dma_start3A_43 = tpu.memref_slice %arg4[%dma_start3A_41, %dma_start3A_42] : memref<10112x128xf32, #tpu.memory_space<hbm>> -> memref<10112x128xf32, #tpu.memory_space<hbm>>
    tpu.enqueue_indirect_dma source(%dma_start3A_43 : memref<10112x128xf32, #tpu.memory_space<hbm>>) target(%arg8 : memref<128x128xf32, #tpu.memory_space<vmem>>) offsets(%dma_start3A_40 : memref<128xi32, #tpu.memory_space<vmem>>) semaphore(%arg10 : memref<!tpu.dma_semaphore, #tpu.memory_space<semaphore_mem>>)
    %dma_start3A_44 = arith.constant 1 : i32
    %dma_start3A_45 = arith.constant 0 : i32
    %dma_start3A_46 = tpu.memref_slice %arg6[%dma_start3A_44, %dma_start3A_45] : memref<40x128xi32, #tpu.memory_space<vmem>> -> memref<1x128xi32, #tpu.memory_space<vmem>>
    %dma_start3A_47 = tpu.memref_squeeze %dma_start3A_46 : memref<1x128xi32, #tpu.memory_space<vmem>> -> memref<128xi32, #tpu.memory_space<vmem>>
    %dma_start3A_48 = arith.constant 0 : i32
    %dma_start3A_49 = arith.constant 0 : i32
    %dma_start3A_50 = tpu.memref_slice %arg4[%dma_start3A_48, %dma_start3A_49] : memref<10112x128xf32, #tpu.memory_space<hbm>> -> memref<10112x128xf32, #tpu.memory_space<hbm>>
    tpu.enqueue_indirect_dma source(%dma_start3A_50 : memref<10112x128xf32, #tpu.memory_space<hbm>>) target(%arg9 : memref<128x128xf32, #tpu.memory_space<vmem>>) offsets(%dma_start3A_47 : memref<128xi32, #tpu.memory_space<vmem>>) semaphore(%arg11 : memref<!tpu.dma_semaphore, #tpu.memory_space<semaphore_mem>>)
    %scan3A_51 = arith.constant 0 : i32
    %scan3A_52 = arith.constant 0 : i32
    %scan3A_53 = arith.constant 20 : i32
    %scan3A_54 = arith.addi %scan3A_52, %scan3A_53 : i32
    %scan3A_55 = arith.constant 1 : i32
    scf.for %scan3A_60 = %scan3A_52 to %scan3A_54 step %scan3A_55  : i32 {
      %mul3A_61 = arith.constant 2 : i32
      %mul3A_62 = arith.muli %mul3A_61, %scan3A_60 : i32
      %add3A_63 = arith.constant 0 : i32
      %add3A_64 = arith.addi %mul3A_62, %add3A_63 : i32
      %dma_wait3A = arith.constant 0 : i32
      %dma_wait3A_65 = tpu.memref_slice %arg6[%add3A_64, %dma_wait3A] : memref<40x128xi32, #tpu.memory_space<vmem>> -> memref<1x128xi32, #tpu.memory_space<vmem>>
      %dma_wait3A_66 = tpu.memref_squeeze %dma_wait3A_65 : memref<1x128xi32, #tpu.memory_space<vmem>> -> memref<128xi32, #tpu.memory_space<vmem>>
      %dma_wait3A_67 = arith.constant 0 : i32
      %dma_wait3A_68 = arith.constant 0 : i32
      %dma_wait3A_69 = tpu.memref_slice %arg4[%dma_wait3A_67, %dma_wait3A_68] : memref<10112x128xf32, #tpu.memory_space<hbm>> -> memref<10112x128xf32, #tpu.memory_space<hbm>>
      tpu.wait_indirect_dma semaphore(%arg10 : memref<!tpu.dma_semaphore, #tpu.memory_space<semaphore_mem>>) src(%dma_wait3A_69 : memref<10112x128xf32, #tpu.memory_space<hbm>>) dst(%arg8 : memref<128x128xf32, #tpu.memory_space<vmem>>)
      "tpu.region"() ({
        %run_scoped3A = tpu.sem_alloc : memref<!tpu.dma_semaphore, #tpu.memory_space<semaphore_mem>>
        %dma_start3A_93 = arith.constant 0 : i32
        %dma_start3A_94 = tpu.memref_slice %arg7[%add3A_64, %dma_start3A_93] : memref<40x128xi32, #tpu.memory_space<vmem>> -> memref<1x128xi32, #tpu.memory_space<vmem>>
        %dma_start3A_95 = tpu.memref_squeeze %dma_start3A_94 : memref<1x128xi32, #tpu.memory_space<vmem>> -> memref<128xi32, #tpu.memory_space<vmem>>
        %dma_start3A_96 = arith.constant 0 : i32
        %dma_start3A_97 = arith.constant 0 : i32
        %dma_start3A_98 = tpu.memref_slice %arg12[%dma_start3A_96, %dma_start3A_97] : memref<10112x128xf32, #tpu.memory_space<vmem_shared>> -> memref<10112x128xf32, #tpu.memory_space<vmem_shared>>
        tpu.enqueue_indirect_dma source(%arg8 : memref<128x128xf32, #tpu.memory_space<vmem>>) target(%dma_start3A_98 : memref<10112x128xf32, #tpu.memory_space<vmem_shared>>) offsets(%dma_start3A_95 : memref<128xi32, #tpu.memory_space<vmem>>) semaphore(%run_scoped3A : memref<!tpu.dma_semaphore, #tpu.memory_space<semaphore_mem>>) {add = true}
        %dma_wait3A_99 = arith.constant 0 : i32
        %dma_wait3A_100 = tpu.memref_slice %arg7[%add3A_64, %dma_wait3A_99] : memref<40x128xi32, #tpu.memory_space<vmem>> -> memref<1x128xi32, #tpu.memory_space<vmem>>
        %dma_wait3A_101 = tpu.memref_squeeze %dma_wait3A_100 : memref<1x128xi32, #tpu.memory_space<vmem>> -> memref<128xi32, #tpu.memory_space<vmem>>
        %dma_wait3A_102 = arith.constant 0 : i32
        %dma_wait3A_103 = arith.constant 0 : i32
        %dma_wait3A_104 = tpu.memref_slice %arg12[%dma_wait3A_102, %dma_wait3A_103] : memref<10112x128xf32, #tpu.memory_space<vmem_shared>> -> memref<10112x128xf32, #tpu.memory_space<vmem_shared>>
        tpu.wait_indirect_dma semaphore(%run_scoped3A : memref<!tpu.dma_semaphore, #tpu.memory_space<semaphore_mem>>) src(%arg8 : memref<128x128xf32, #tpu.memory_space<vmem>>) dst(%dma_wait3A_104 : memref<10112x128xf32, #tpu.memory_space<vmem_shared>>)
        tpu.yield
      }) : () -> ()
      %add3A_70 = arith.constant 2 : i32
      %add3A_71 = arith.addi %add3A_64, %add3A_70 : i32
      %lt3A = arith.constant 40 : i32
      %lt3A_72 = arith.cmpi slt, %add3A_71, %lt3A : i32
      %convert_element_type3A_73 = arith.extui %lt3A_72 : i1 to i32
      %cond3A_74 = arith.constant 0 : i32
      %cond3A_75 = arith.cmpi ne, %convert_element_type3A_73, %cond3A_74 : i32
      scf.if %cond3A_75 {
        %dma_start3A_93 = arith.constant 0 : i32
        %dma_start3A_94 = tpu.memref_slice %arg6[%add3A_71, %dma_start3A_93] : memref<40x128xi32, #tpu.memory_space<vmem>> -> memref<1x128xi32, #tpu.memory_space<vmem>>
        %dma_start3A_95 = tpu.memref_squeeze %dma_start3A_94 : memref<1x128xi32, #tpu.memory_space<vmem>> -> memref<128xi32, #tpu.memory_space<vmem>>
        %dma_start3A_96 = arith.constant 0 : i32
        %dma_start3A_97 = arith.constant 0 : i32
        %dma_start3A_98 = tpu.memref_slice %arg4[%dma_start3A_96, %dma_start3A_97] : memref<10112x128xf32, #tpu.memory_space<hbm>> -> memref<10112x128xf32, #tpu.memory_space<hbm>>
        tpu.enqueue_indirect_dma source(%dma_start3A_98 : memref<10112x128xf32, #tpu.memory_space<hbm>>) target(%arg8 : memref<128x128xf32, #tpu.memory_space<vmem>>) offsets(%dma_start3A_95 : memref<128xi32, #tpu.memory_space<vmem>>) semaphore(%arg10 : memref<!tpu.dma_semaphore, #tpu.memory_space<semaphore_mem>>)
      } else {
      }
      %mul3A_76 = arith.constant 2 : i32
      %mul3A_77 = arith.muli %mul3A_76, %scan3A_60 : i32
      %add3A_78 = arith.constant 1 : i32
      %add3A_79 = arith.addi %mul3A_77, %add3A_78 : i32
      %dma_wait3A_80 = arith.constant 0 : i32
      %dma_wait3A_81 = tpu.memref_slice %arg6[%add3A_79, %dma_wait3A_80] : memref<40x128xi32, #tpu.memory_space<vmem>> -> memref<1x128xi32, #tpu.memory_space<vmem>>
      %dma_wait3A_82 = tpu.memref_squeeze %dma_wait3A_81 : memref<1x128xi32, #tpu.memory_space<vmem>> -> memref<128xi32, #tpu.memory_space<vmem>>
      %dma_wait3A_83 = arith.constant 0 : i32
      %dma_wait3A_84 = arith.constant 0 : i32
      %dma_wait3A_85 = tpu.memref_slice %arg4[%dma_wait3A_83, %dma_wait3A_84] : memref<10112x128xf32, #tpu.memory_space<hbm>> -> memref<10112x128xf32, #tpu.memory_space<hbm>>
      tpu.wait_indirect_dma semaphore(%arg11 : memref<!tpu.dma_semaphore, #tpu.memory_space<semaphore_mem>>) src(%dma_wait3A_85 : memref<10112x128xf32, #tpu.memory_space<hbm>>) dst(%arg9 : memref<128x128xf32, #tpu.memory_space<vmem>>)
      "tpu.region"() ({
        %run_scoped3A = tpu.sem_alloc : memref<!tpu.dma_semaphore, #tpu.memory_space<semaphore_mem>>
        %dma_start3A_93 = arith.constant 0 : i32
        %dma_start3A_94 = tpu.memref_slice %arg7[%add3A_79, %dma_start3A_93] : memref<40x128xi32, #tpu.memory_space<vmem>> -> memref<1x128xi32, #tpu.memory_space<vmem>>
        %dma_start3A_95 = tpu.memref_squeeze %dma_start3A_94 : memref<1x128xi32, #tpu.memory_space<vmem>> -> memref<128xi32, #tpu.memory_space<vmem>>
        %dma_start3A_96 = arith.constant 0 : i32
        %dma_start3A_97 = arith.constant 0 : i32
        %dma_start3A_98 = tpu.memref_slice %arg12[%dma_start3A_96, %dma_start3A_97] : memref<10112x128xf32, #tpu.memory_space<vmem_shared>> -> memref<10112x128xf32, #tpu.memory_space<vmem_shared>>
        tpu.enqueue_indirect_dma source(%arg9 : memref<128x128xf32, #tpu.memory_space<vmem>>) target(%dma_start3A_98 : memref<10112x128xf32, #tpu.memory_space<vmem_shared>>) offsets(%dma_start3A_95 : memref<128xi32, #tpu.memory_space<vmem>>) semaphore(%run_scoped3A : memref<!tpu.dma_semaphore, #tpu.memory_space<semaphore_mem>>) {add = true}
        %dma_wait3A_99 = arith.constant 0 : i32
        %dma_wait3A_100 = tpu.memref_slice %arg7[%add3A_79, %dma_wait3A_99] : memref<40x128xi32, #tpu.memory_space<vmem>> -> memref<1x128xi32, #tpu.memory_space<vmem>>
        %dma_wait3A_101 = tpu.memref_squeeze %dma_wait3A_100 : memref<1x128xi32, #tpu.memory_space<vmem>> -> memref<128xi32, #tpu.memory_space<vmem>>
        %dma_wait3A_102 = arith.constant 0 : i32
        %dma_wait3A_103 = arith.constant 0 : i32
        %dma_wait3A_104 = tpu.memref_slice %arg12[%dma_wait3A_102, %dma_wait3A_103] : memref<10112x128xf32, #tpu.memory_space<vmem_shared>> -> memref<10112x128xf32, #tpu.memory_space<vmem_shared>>
        tpu.wait_indirect_dma semaphore(%run_scoped3A : memref<!tpu.dma_semaphore, #tpu.memory_space<semaphore_mem>>) src(%arg9 : memref<128x128xf32, #tpu.memory_space<vmem>>) dst(%dma_wait3A_104 : memref<10112x128xf32, #tpu.memory_space<vmem_shared>>)
        tpu.yield
      }) : () -> ()
      %add3A_86 = arith.constant 2 : i32
      %add3A_87 = arith.addi %add3A_79, %add3A_86 : i32
      %lt3A_88 = arith.constant 40 : i32
      %lt3A_89 = arith.cmpi slt, %add3A_87, %lt3A_88 : i32
      %convert_element_type3A_90 = arith.extui %lt3A_89 : i1 to i32
      %cond3A_91 = arith.constant 0 : i32
      %cond3A_92 = arith.cmpi ne, %convert_element_type3A_90, %cond3A_91 : i32
      scf.if %cond3A_92 {
        %dma_start3A_93 = arith.constant 0 : i32
        %dma_start3A_94 = tpu.memref_slice %arg6[%add3A_87, %dma_start3A_93] : memref<40x128xi32, #tpu.memory_space<vmem>> -> memref<1x128xi32, #tpu.memory_space<vmem>>
        %dma_start3A_95 = tpu.memref_squeeze %dma_start3A_94 : memref<1x128xi32, #tpu.memory_space<vmem>> -> memref<128xi32, #tpu.memory_space<vmem>>
        %dma_start3A_96 = arith.constant 0 : i32
        %dma_start3A_97 = arith.constant 0 : i32
        %dma_start3A_98 = tpu.memref_slice %arg4[%dma_start3A_96, %dma_start3A_97] : memref<10112x128xf32, #tpu.memory_space<hbm>> -> memref<10112x128xf32, #tpu.memory_space<hbm>>
        tpu.enqueue_indirect_dma source(%dma_start3A_98 : memref<10112x128xf32, #tpu.memory_space<hbm>>) target(%arg9 : memref<128x128xf32, #tpu.memory_space<vmem>>) offsets(%dma_start3A_95 : memref<128xi32, #tpu.memory_space<vmem>>) semaphore(%arg11 : memref<!tpu.dma_semaphore, #tpu.memory_space<semaphore_mem>>)
      } else {
      }
    }
    %scan3A_56 = arith.constant 20 : i32
    %barrier3A_57 = arith.constant 0 : index
    tpu.barrier barrier_id(%barrier3A_57)
    %eq3A = arith.constant 0 : i32
    %eq3A_58 = arith.cmpi eq, %arg1, %eq3A : i32
    %convert_element_type3A = arith.extui %eq3A_58 : i1 to i32
    %cond3A = arith.constant 0 : i32
    %cond3A_59 = arith.cmpi ne, %convert_element_type3A, %cond3A : i32
    scf.if %cond3A_59 {
      "tpu.region"() ({
        %run_scoped3A = tpu.sem_alloc : memref<!tpu.dma_semaphore, #tpu.memory_space<semaphore_mem>>
        %dma_start3A_60 = arith.constant 0 : i32
        %dma_start3A_61 = arith.constant 0 : i32
        %dma_start3A_62 = tpu.memref_slice %arg5[%arg0, %dma_start3A_60, %dma_start3A_61] : memref<2x10112x128xf32, #tpu.memory_space<hbm>> -> memref<1x10112x128xf32, #tpu.memory_space<hbm>>
        %dma_start3A_63 = tpu.memref_squeeze %dma_start3A_62 : memref<1x10112x128xf32, #tpu.memory_space<hbm>> -> memref<10112x128xf32, #tpu.memory_space<hbm>>
        tpu.enqueue_dma source(%arg12 : memref<10112x128xf32, #tpu.memory_space<vmem_shared>>) target(%dma_start3A_63 : memref<10112x128xf32, #tpu.memory_space<hbm>>) target_semaphore(%run_scoped3A : memref<!tpu.dma_semaphore, #tpu.memory_space<semaphore_mem>>)
        %dma_wait3A = arith.constant 0 : i32
        %dma_wait3A_64 = arith.constant 0 : i32
        %dma_wait3A_65 = tpu.memref_slice %arg5[%arg0, %dma_wait3A, %dma_wait3A_64] : memref<2x10112x128xf32, #tpu.memory_space<hbm>> -> memref<1x10112x128xf32, #tpu.memory_space<hbm>>
        %dma_wait3A_66 = tpu.memref_squeeze %dma_wait3A_65 : memref<1x10112x128xf32, #tpu.memory_space<hbm>> -> memref<10112x128xf32, #tpu.memory_space<hbm>>
        tpu.wait_dma2 semaphore(%run_scoped3A : memref<!tpu.dma_semaphore, #tpu.memory_space<semaphore_mem>>) src(%arg12 : memref<10112x128xf32, #tpu.memory_space<vmem_shared>>) dst(%dma_wait3A_66 : memref<10112x128xf32, #tpu.memory_space<hbm>>)
        tpu.yield
      }) : () -> ()
    } else {
    }
    return
  }
}

#map = affine_map<(d0, d1) -> (0, 0, 0)>
#map1 = affine_map<(d0, d1) -> (0, 0)>
module attributes {stable_mosaic.version = 14 : i64} {
  func.func @_deg_body(%arg0: i32, %arg1: i32, %arg2: memref<32x80x128xi32, #tpu.memory_space<hbm>>, %arg3: memref<2x10112xf32, #tpu.memory_space<hbm>>, %arg4: memref<80x128xi32, #tpu.memory_space<vmem>>, %arg5: memref<128xf32, #tpu.memory_space<vmem>>, %arg6: memref<640xf32, #tpu.memory_space<vmem>>, %arg7: memref<10112xf32, #tpu.memory_space<vmem_shared>>) attributes {dimension_semantics = [#tpu.dimension_semantics<core_parallel>, #tpu.dimension_semantics<subcore_parallel>], iteration_bounds = array<i64: 2, 16>, scalar_prefetch = 0 : i64, scratch_operands = 4 : i64, tpu.core_type = #tpu.core_type<sc_vector_subcore>, window_params = [{transform_indices = #map}, {transform_indices = #map1}]} {
    %mul3A = arith.constant 2 : i32
    %mul3A_0 = arith.muli %arg1, %mul3A : i32
    %add3A = arith.addi %mul3A_0, %arg0 : i32
    %scan3A = arith.constant 0 : i32
    %scan3A_1 = arith.constant 0 : i32
    %scan3A_2 = arith.constant 40 : i32
    %scan3A_3 = arith.addi %scan3A_1, %scan3A_2 : i32
    %scan3A_4 = arith.constant 1 : i32
    scf.for %scan3A_63 = %scan3A_1 to %scan3A_3 step %scan3A_4  : i32 {
      %broadcast_in_dim3A_64 = arith.constant 0.000000e+00 : f32
      %broadcast_in_dim3A_65 = vector.broadcast %broadcast_in_dim3A_64 : f32 to vector<16xf32>
      %mul3A_66 = arith.constant 16 : i32
      %mul3A_67 = arith.muli %scan3A_63, %mul3A_66 : i32
      %swap3A_68 = arith.index_cast %mul3A_67 : i32 to index
      %swap3A_69 = tpu.vector_load %arg6[%swap3A_68] {strides = array<i32>} : memref<640xf32, #tpu.memory_space<vmem>>, vector<16xf32>,
      %swap3A_70 = vector.shape_cast %swap3A_69 : vector<16xf32> to vector<16xf32>
      %swap3A_71 = vector.shape_cast %broadcast_in_dim3A_65 : vector<16xf32> to vector<16xf32>
      tpu.vector_store %arg6[%swap3A_68], %swap3A_71 {strides = array<i32>} : memref<640xf32, #tpu.memory_space<vmem>>, vector<16xf32>,
    }
    %scan3A_5 = arith.constant 40 : i32
    %mul3A_6 = arith.constant 632 : i32
    %mul3A_7 = arith.muli %arg1, %mul3A_6 : i32
    "tpu.region"() ({
      %run_scoped3A = tpu.sem_alloc : memref<!tpu.dma_semaphore, #tpu.memory_space<semaphore_mem>>
      %dma_start3A = arith.constant 0 : i32
      %dma_start3A_63 = tpu.memref_slice %arg6[%dma_start3A] : memref<640xf32, #tpu.memory_space<vmem>> -> memref<632xf32, #tpu.memory_space<vmem>>
      %dma_start3A_64 = tpu.memref_slice %arg7[%mul3A_7] : memref<10112xf32, #tpu.memory_space<vmem_shared>> -> memref<632xf32, #tpu.memory_space<vmem_shared>>
      %dma_start3A_65 = tpu.memref_slice %arg7[%mul3A_7] : memref<10112xf32, #tpu.memory_space<vmem_shared>> -> memref<632xf32, #tpu.memory_space<vmem_shared>>
      %dma_start3A_66 = arith.constant 0 : i32
      %dma_start3A_67 = tpu.memref_slice %arg6[%dma_start3A_66] : memref<640xf32, #tpu.memory_space<vmem>> -> memref<632xf32, #tpu.memory_space<vmem>>
      tpu.enqueue_dma source(%dma_start3A_67 : memref<632xf32, #tpu.memory_space<vmem>>) target(%dma_start3A_65 : memref<632xf32, #tpu.memory_space<vmem_shared>>) target_semaphore(%run_scoped3A : memref<!tpu.dma_semaphore, #tpu.memory_space<semaphore_mem>>)
      %dma_wait3A = arith.constant 0 : i32
      %dma_wait3A_68 = tpu.memref_slice %arg6[%dma_wait3A] : memref<640xf32, #tpu.memory_space<vmem>> -> memref<632xf32, #tpu.memory_space<vmem>>
      %dma_wait3A_69 = tpu.memref_slice %arg7[%mul3A_7] : memref<10112xf32, #tpu.memory_space<vmem_shared>> -> memref<632xf32, #tpu.memory_space<vmem_shared>>
      %dma_wait3A_70 = tpu.memref_slice %arg7[%mul3A_7] : memref<10112xf32, #tpu.memory_space<vmem_shared>> -> memref<632xf32, #tpu.memory_space<vmem_shared>>
      %dma_wait3A_71 = arith.constant 0 : i32
      %dma_wait3A_72 = tpu.memref_slice %arg6[%dma_wait3A_71] : memref<640xf32, #tpu.memory_space<vmem>> -> memref<632xf32, #tpu.memory_space<vmem>>
      tpu.wait_dma2 semaphore(%run_scoped3A : memref<!tpu.dma_semaphore, #tpu.memory_space<semaphore_mem>>) src(%dma_wait3A_72 : memref<632xf32, #tpu.memory_space<vmem>>) dst(%dma_wait3A_70 : memref<632xf32, #tpu.memory_space<vmem_shared>>)
      tpu.yield
    }) : () -> ()
    %broadcast_in_dim3A = arith.constant 1.000000e+00 : f32
    %broadcast_in_dim3A_8 = vector.broadcast %broadcast_in_dim3A : f32 to vector<16xf32>
    %swap3A = arith.constant 0 : index
    %swap3A_9 = tpu.vector_load %arg5[%swap3A] {strides = array<i32>} : memref<128xf32, #tpu.memory_space<vmem>>, vector<16xf32>,
    %swap3A_10 = vector.shape_cast %swap3A_9 : vector<16xf32> to vector<16xf32>
    %swap3A_11 = vector.shape_cast %broadcast_in_dim3A_8 : vector<16xf32> to vector<16xf32>
    tpu.vector_store %arg5[%swap3A], %swap3A_11 {strides = array<i32>} : memref<128xf32, #tpu.memory_space<vmem>>, vector<16xf32>,
    %broadcast_in_dim3A_12 = arith.constant 1.000000e+00 : f32
    %broadcast_in_dim3A_13 = vector.broadcast %broadcast_in_dim3A_12 : f32 to vector<16xf32>
    %swap3A_14 = arith.constant 16 : index
    %swap3A_15 = tpu.vector_load %arg5[%swap3A_14] {strides = array<i32>} : memref<128xf32, #tpu.memory_space<vmem>>, vector<16xf32>,
    %swap3A_16 = vector.shape_cast %swap3A_15 : vector<16xf32> to vector<16xf32>
    %swap3A_17 = vector.shape_cast %broadcast_in_dim3A_13 : vector<16xf32> to vector<16xf32>
    tpu.vector_store %arg5[%swap3A_14], %swap3A_17 {strides = array<i32>} : memref<128xf32, #tpu.memory_space<vmem>>, vector<16xf32>,
    %broadcast_in_dim3A_18 = arith.constant 1.000000e+00 : f32
    %broadcast_in_dim3A_19 = vector.broadcast %broadcast_in_dim3A_18 : f32 to vector<16xf32>
    %swap3A_20 = arith.constant 32 : index
    %swap3A_21 = tpu.vector_load %arg5[%swap3A_20] {strides = array<i32>} : memref<128xf32, #tpu.memory_space<vmem>>, vector<16xf32>,
    %swap3A_22 = vector.shape_cast %swap3A_21 : vector<16xf32> to vector<16xf32>
    %swap3A_23 = vector.shape_cast %broadcast_in_dim3A_19 : vector<16xf32> to vector<16xf32>
    tpu.vector_store %arg5[%swap3A_20], %swap3A_23 {strides = array<i32>} : memref<128xf32, #tpu.memory_space<vmem>>, vector<16xf32>,
    %broadcast_in_dim3A_24 = arith.constant 1.000000e+00 : f32
    %broadcast_in_dim3A_25 = vector.broadcast %broadcast_in_dim3A_24 : f32 to vector<16xf32>
    %swap3A_26 = arith.constant 48 : index
    %swap3A_27 = tpu.vector_load %arg5[%swap3A_26] {strides = array<i32>} : memref<128xf32, #tpu.memory_space<vmem>>, vector<16xf32>,
    %swap3A_28 = vector.shape_cast %swap3A_27 : vector<16xf32> to vector<16xf32>
    %swap3A_29 = vector.shape_cast %broadcast_in_dim3A_25 : vector<16xf32> to vector<16xf32>
    tpu.vector_store %arg5[%swap3A_26], %swap3A_29 {strides = array<i32>} : memref<128xf32, #tpu.memory_space<vmem>>, vector<16xf32>,
    %broadcast_in_dim3A_30 = arith.constant 1.000000e+00 : f32
    %broadcast_in_dim3A_31 = vector.broadcast %broadcast_in_dim3A_30 : f32 to vector<16xf32>
    %swap3A_32 = arith.constant 64 : index
    %swap3A_33 = tpu.vector_load %arg5[%swap3A_32] {strides = array<i32>} : memref<128xf32, #tpu.memory_space<vmem>>, vector<16xf32>,
    %swap3A_34 = vector.shape_cast %swap3A_33 : vector<16xf32> to vector<16xf32>
    %swap3A_35 = vector.shape_cast %broadcast_in_dim3A_31 : vector<16xf32> to vector<16xf32>
    tpu.vector_store %arg5[%swap3A_32], %swap3A_35 {strides = array<i32>} : memref<128xf32, #tpu.memory_space<vmem>>, vector<16xf32>,
    %broadcast_in_dim3A_36 = arith.constant 1.000000e+00 : f32
    %broadcast_in_dim3A_37 = vector.broadcast %broadcast_in_dim3A_36 : f32 to vector<16xf32>
    %swap3A_38 = arith.constant 80 : index
    %swap3A_39 = tpu.vector_load %arg5[%swap3A_38] {strides = array<i32>} : memref<128xf32, #tpu.memory_space<vmem>>, vector<16xf32>,
    %swap3A_40 = vector.shape_cast %swap3A_39 : vector<16xf32> to vector<16xf32>
    %swap3A_41 = vector.shape_cast %broadcast_in_dim3A_37 : vector<16xf32> to vector<16xf32>
    tpu.vector_store %arg5[%swap3A_38], %swap3A_41 {strides = array<i32>} : memref<128xf32, #tpu.memory_space<vmem>>, vector<16xf32>,
    %broadcast_in_dim3A_42 = arith.constant 1.000000e+00 : f32
    %broadcast_in_dim3A_43 = vector.broadcast %broadcast_in_dim3A_42 : f32 to vector<16xf32>
    %swap3A_44 = arith.constant 96 : index
    %swap3A_45 = tpu.vector_load %arg5[%swap3A_44] {strides = array<i32>} : memref<128xf32, #tpu.memory_space<vmem>>, vector<16xf32>,
    %swap3A_46 = vector.shape_cast %swap3A_45 : vector<16xf32> to vector<16xf32>
    %swap3A_47 = vector.shape_cast %broadcast_in_dim3A_43 : vector<16xf32> to vector<16xf32>
    tpu.vector_store %arg5[%swap3A_44], %swap3A_47 {strides = array<i32>} : memref<128xf32, #tpu.memory_space<vmem>>, vector<16xf32>,
    %broadcast_in_dim3A_48 = arith.constant 1.000000e+00 : f32
    %broadcast_in_dim3A_49 = vector.broadcast %broadcast_in_dim3A_48 : f32 to vector<16xf32>
    %swap3A_50 = arith.constant 112 : index
    %swap3A_51 = tpu.vector_load %arg5[%swap3A_50] {strides = array<i32>} : memref<128xf32, #tpu.memory_space<vmem>>, vector<16xf32>,
    %swap3A_52 = vector.shape_cast %swap3A_51 : vector<16xf32> to vector<16xf32>
    %swap3A_53 = vector.shape_cast %broadcast_in_dim3A_49 : vector<16xf32> to vector<16xf32>
    tpu.vector_store %arg5[%swap3A_50], %swap3A_53 {strides = array<i32>} : memref<128xf32, #tpu.memory_space<vmem>>, vector<16xf32>,
    "tpu.region"() ({
      %run_scoped3A = tpu.sem_alloc : memref<!tpu.dma_semaphore, #tpu.memory_space<semaphore_mem>>
      %dma_start3A = arith.constant 0 : i32
      %dma_start3A_63 = arith.constant 0 : i32
      %dma_start3A_64 = tpu.memref_slice %arg2[%add3A, %dma_start3A, %dma_start3A_63] : memref<32x80x128xi32, #tpu.memory_space<hbm>> -> memref<1x80x128xi32, #tpu.memory_space<hbm>>
      %dma_start3A_65 = tpu.memref_squeeze %dma_start3A_64 : memref<1x80x128xi32, #tpu.memory_space<hbm>> -> memref<80x128xi32, #tpu.memory_space<hbm>>
      %dma_start3A_66 = arith.constant 0 : i32
      %dma_start3A_67 = arith.constant 0 : i32
      %dma_start3A_68 = tpu.memref_slice %arg2[%add3A, %dma_start3A_66, %dma_start3A_67] : memref<32x80x128xi32, #tpu.memory_space<hbm>> -> memref<1x80x128xi32, #tpu.memory_space<hbm>>
      %dma_start3A_69 = tpu.memref_squeeze %dma_start3A_68 : memref<1x80x128xi32, #tpu.memory_space<hbm>> -> memref<80x128xi32, #tpu.memory_space<hbm>>
      tpu.enqueue_dma source(%dma_start3A_69 : memref<80x128xi32, #tpu.memory_space<hbm>>) target(%arg4 : memref<80x128xi32, #tpu.memory_space<vmem>>) target_semaphore(%run_scoped3A : memref<!tpu.dma_semaphore, #tpu.memory_space<semaphore_mem>>)
      %dma_wait3A = arith.constant 0 : i32
      %dma_wait3A_70 = arith.constant 0 : i32
      %dma_wait3A_71 = tpu.memref_slice %arg2[%add3A, %dma_wait3A, %dma_wait3A_70] : memref<32x80x128xi32, #tpu.memory_space<hbm>> -> memref<1x80x128xi32, #tpu.memory_space<hbm>>
      %dma_wait3A_72 = tpu.memref_squeeze %dma_wait3A_71 : memref<1x80x128xi32, #tpu.memory_space<hbm>> -> memref<80x128xi32, #tpu.memory_space<hbm>>
      %dma_wait3A_73 = arith.constant 0 : i32
      %dma_wait3A_74 = arith.constant 0 : i32
      %dma_wait3A_75 = tpu.memref_slice %arg2[%add3A, %dma_wait3A_73, %dma_wait3A_74] : memref<32x80x128xi32, #tpu.memory_space<hbm>> -> memref<1x80x128xi32, #tpu.memory_space<hbm>>
      %dma_wait3A_76 = tpu.memref_squeeze %dma_wait3A_75 : memref<1x80x128xi32, #tpu.memory_space<hbm>> -> memref<80x128xi32, #tpu.memory_space<hbm>>
      tpu.wait_dma2 semaphore(%run_scoped3A : memref<!tpu.dma_semaphore, #tpu.memory_space<semaphore_mem>>) src(%dma_wait3A_76 : memref<80x128xi32, #tpu.memory_space<hbm>>) dst(%arg4 : memref<80x128xi32, #tpu.memory_space<vmem>>)
      tpu.yield
    }) : () -> ()
    %barrier3A = arith.constant 0 : index
    tpu.barrier barrier_id(%barrier3A)
    %scan3A_54 = arith.constant 0 : i32
    %scan3A_55 = arith.constant 0 : i32
    %scan3A_56 = arith.constant 80 : i32
    %scan3A_57 = arith.addi %scan3A_55, %scan3A_56 : i32
    %scan3A_58 = arith.constant 1 : i32
    scf.for %scan3A_63 = %scan3A_55 to %scan3A_57 step %scan3A_58  : i32 {
      "tpu.region"() ({
        %run_scoped3A = tpu.sem_alloc : memref<!tpu.dma_semaphore, #tpu.memory_space<semaphore_mem>>
        %dma_start3A = arith.constant 0 : i32
        %dma_start3A_64 = tpu.memref_slice %arg4[%scan3A_63, %dma_start3A] : memref<80x128xi32, #tpu.memory_space<vmem>> -> memref<1x128xi32, #tpu.memory_space<vmem>>
        %dma_start3A_65 = tpu.memref_squeeze %dma_start3A_64 : memref<1x128xi32, #tpu.memory_space<vmem>> -> memref<128xi32, #tpu.memory_space<vmem>>
        %dma_start3A_66 = arith.constant 0 : i32
        %dma_start3A_67 = tpu.memref_slice %arg7[%dma_start3A_66] : memref<10112xf32, #tpu.memory_space<vmem_shared>> -> memref<10112xf32, #tpu.memory_space<vmem_shared>>
        tpu.enqueue_indirect_dma source(%arg5 : memref<128xf32, #tpu.memory_space<vmem>>) target(%dma_start3A_67 : memref<10112xf32, #tpu.memory_space<vmem_shared>>) offsets(%dma_start3A_65 : memref<128xi32, #tpu.memory_space<vmem>>) semaphore(%run_scoped3A : memref<!tpu.dma_semaphore, #tpu.memory_space<semaphore_mem>>) {add = true}
        %dma_wait3A = arith.constant 0 : i32
        %dma_wait3A_68 = tpu.memref_slice %arg4[%scan3A_63, %dma_wait3A] : memref<80x128xi32, #tpu.memory_space<vmem>> -> memref<1x128xi32, #tpu.memory_space<vmem>>
        %dma_wait3A_69 = tpu.memref_squeeze %dma_wait3A_68 : memref<1x128xi32, #tpu.memory_space<vmem>> -> memref<128xi32, #tpu.memory_space<vmem>>
        %dma_wait3A_70 = arith.constant 0 : i32
        %dma_wait3A_71 = tpu.memref_slice %arg7[%dma_wait3A_70] : memref<10112xf32, #tpu.memory_space<vmem_shared>> -> memref<10112xf32, #tpu.memory_space<vmem_shared>>
        tpu.wait_indirect_dma semaphore(%run_scoped3A : memref<!tpu.dma_semaphore, #tpu.memory_space<semaphore_mem>>) src(%arg5 : memref<128xf32, #tpu.memory_space<vmem>>) dst(%dma_wait3A_71 : memref<10112xf32, #tpu.memory_space<vmem_shared>>)
        tpu.yield
      }) : () -> ()
    }
    %scan3A_59 = arith.constant 80 : i32
    %barrier3A_60 = arith.constant 0 : index
    tpu.barrier barrier_id(%barrier3A_60)
    %eq3A = arith.constant 0 : i32
    %eq3A_61 = arith.cmpi eq, %arg1, %eq3A : i32
    %convert_element_type3A = arith.extui %eq3A_61 : i1 to i32
    %cond3A = arith.constant 0 : i32
    %cond3A_62 = arith.cmpi ne, %convert_element_type3A, %cond3A : i32
    scf.if %cond3A_62 {
      "tpu.region"() ({
        %run_scoped3A = tpu.sem_alloc : memref<!tpu.dma_semaphore, #tpu.memory_space<semaphore_mem>>
        %dma_start3A = arith.constant 0 : i32
        %dma_start3A_63 = tpu.memref_slice %arg3[%arg0, %dma_start3A] : memref<2x10112xf32, #tpu.memory_space<hbm>> -> memref<1x10112xf32, #tpu.memory_space<hbm>>
        %dma_start3A_64 = tpu.memref_squeeze %dma_start3A_63 : memref<1x10112xf32, #tpu.memory_space<hbm>> -> memref<10112xf32, #tpu.memory_space<hbm>>
        tpu.enqueue_dma source(%arg7 : memref<10112xf32, #tpu.memory_space<vmem_shared>>) target(%dma_start3A_64 : memref<10112xf32, #tpu.memory_space<hbm>>) target_semaphore(%run_scoped3A : memref<!tpu.dma_semaphore, #tpu.memory_space<semaphore_mem>>)
        %dma_wait3A = arith.constant 0 : i32
        %dma_wait3A_65 = tpu.memref_slice %arg3[%arg0, %dma_wait3A] : memref<2x10112xf32, #tpu.memory_space<hbm>> -> memref<1x10112xf32, #tpu.memory_space<hbm>>
        %dma_wait3A_66 = tpu.memref_squeeze %dma_wait3A_65 : memref<1x10112xf32, #tpu.memory_space<hbm>> -> memref<10112xf32, #tpu.memory_space<hbm>>
        tpu.wait_dma2 semaphore(%run_scoped3A : memref<!tpu.dma_semaphore, #tpu.memory_space<semaphore_mem>>) src(%arg7 : memref<10112xf32, #tpu.memory_space<vmem_shared>>) dst(%dma_wait3A_66 : memref<10112xf32, #tpu.memory_space<hbm>>)
        tpu.yield
      }) : () -> ()
    } else {
    }
    return
  }
}

module attributes {stable_mosaic.version = 14 : i64} {
  func.func @_dense_body(%arg0: memref<10000x128xf32, #tpu.memory_space<vmem>>, %arg1: memref<128x128xf32, #tpu.memory_space<vmem>>, %arg2: memref<128x128xf32, #tpu.memory_space<vmem>>, %arg3: memref<128x128xf32, #tpu.memory_space<vmem>>, %arg4: memref<128x128xf32, #tpu.memory_space<vmem>>, %arg5: memref<128x1xf32, #tpu.memory_space<vmem>>, %arg6: memref<10000x1xi32, #tpu.memory_space<vmem>>, %arg7: memref<1x10000xi32, #tpu.memory_space<vmem>>, %arg8: memref<64x128xf32, #tpu.memory_space<vmem>>, %arg9: memref<10000x1xf32, #tpu.memory_space<vmem>>, %arg10: memref<10000x1xf32, #tpu.memory_space<vmem>>, %arg11: memref<10112x128xf32, #tpu.memory_space<vmem>>, %arg12: memref<64x128xf32, #tpu.memory_space<vmem>>, %arg13: memref<64x128xf32, #tpu.memory_space<vmem>>, %arg14: memref<1x64xi32, #tpu.memory_space<vmem>>, %arg15: memref<10000x1xf32, #tpu.memory_space<vmem>>) attributes {dimension_semantics = [], scalar_prefetch = 0 : i64, scratch_operands = 0 : i64, tpu.core_type = #tpu.core_type<tc>} {
    %get3A = arith.constant 0 : index
    %get3A_0 = arith.constant 0 : index
    %get3A_1 = vector.load %arg0[%get3A, %get3A_0] : memref<10000x128xf32, #tpu.memory_space<vmem>>, vector<10000x128xf32>
    %get3A_2 = arith.constant 0 : index
    %get3A_3 = arith.constant 0 : index
    %get3A_4 = vector.load %arg9[%get3A_2, %get3A_3] : memref<10000x1xf32, #tpu.memory_space<vmem>>, vector<10000x1xf32>
    %add3A = arith.constant 1.000000e+00 : f32
    %add3A_5 = vector.broadcast %add3A : f32 to vector<10000x1xf32>
    %add3A_6 = arith.addf %add3A_5, %get3A_4 : vector<10000x1xf32>
    %get3A_7 = arith.constant 0 : index
    %get3A_8 = arith.constant 0 : index
    %get3A_9 = vector.load %arg10[%get3A_7, %get3A_8] : memref<10000x1xf32, #tpu.memory_space<vmem>>, vector<10000x1xf32>
    %add3A_10 = arith.addf %add3A_6, %get3A_9 : vector<10000x1xf32>
    %rsqrt3A = math.rsqrt %add3A_10 : vector<10000x1xf32>
    %swap3A = arith.constant 0 : index
    %swap3A_11 = arith.constant 0 : index
    %swap3A_12 = vector.load %arg15[%swap3A, %swap3A_11] : memref<10000x1xf32, #tpu.memory_space<vmem>>, vector<10000x1xf32>
    tpu.vector_store %arg15[%swap3A, %swap3A_11], %rsqrt3A {strides = array<i32>} : memref<10000x1xf32, #tpu.memory_space<vmem>>, vector<10000x1xf32>,
    %get3A_13 = arith.constant 0 : index
    %get3A_14 = arith.constant 0 : index
    %get3A_15 = vector.load %arg1[%get3A_13, %get3A_14] : memref<128x128xf32, #tpu.memory_space<vmem>>, vector<128x128xf32>
    %dot_general3A = arith.constant dense<0.000000e+00> : vector<10000x128xf32>
    %dot_general3A_16 = tpu.matmul %get3A_1, %get3A_15, %dot_general3A {dimension_numbers = #tpu.dot_dimension_numbers<[1], [0], [0], [1], [0, 0, 1, 1], [], []>, transpose_lhs_hint = false} : vector<10000x128xf32>, vector<128x128xf32>, vector<10000x128xf32> -> vector<10000x128xf32>
    %mul3A = vector.broadcast %rsqrt3A : vector<10000x1xf32> to vector<10000x128xf32>
    %mul3A_17 = arith.mulf %dot_general3A_16, %mul3A : vector<10000x128xf32>
    %swap3A_18 = arith.constant 0 : index
    %swap3A_19 = arith.constant 0 : index
    %swap3A_20 = vector.load %arg11[%swap3A_18, %swap3A_19] : memref<10112x128xf32, #tpu.memory_space<vmem>>, vector<10000x128xf32>
    tpu.vector_store %arg11[%swap3A_18, %swap3A_19], %mul3A_17 {strides = array<i32>} : memref<10112x128xf32, #tpu.memory_space<vmem>>, vector<10000x128xf32>,
    %broadcast_in_dim3A = arith.constant 0.000000e+00 : f32
    %broadcast_in_dim3A_21 = vector.broadcast %broadcast_in_dim3A : f32 to vector<112x128xf32>
    %swap3A_22 = arith.constant 10000 : index
    %swap3A_23 = arith.constant 0 : index
    %swap3A_24 = vector.load %arg11[%swap3A_22, %swap3A_23] : memref<10112x128xf32, #tpu.memory_space<vmem>>, vector<112x128xf32>
    tpu.vector_store %arg11[%swap3A_22, %swap3A_23], %broadcast_in_dim3A_21 {strides = array<i32>} : memref<10112x128xf32, #tpu.memory_space<vmem>>, vector<112x128xf32>,
    %iota3A = tpu.iota {dimensions = array<i32: 1>} : vector<10000x64xi32>
    %get3A_25 = arith.constant 0 : index
    %get3A_26 = arith.constant 0 : index
    %get3A_27 = vector.load %arg6[%get3A_25, %get3A_26] : memref<10000x1xi32, #tpu.memory_space<vmem>>, vector<10000x1xi32>
    %eq3A = vector.broadcast %get3A_27 : vector<10000x1xi32> to vector<10000x64xi32>
    %eq3A_28 = arith.cmpi eq, %iota3A, %eq3A : vector<10000x64xi32>
    %iota3A_29 = tpu.iota {dimensions = array<i32: 0>} : vector<64x10000xi32>
    %get3A_30 = arith.constant 0 : index
    %get3A_31 = arith.constant 0 : index
    %get3A_32 = vector.load %arg7[%get3A_30, %get3A_31] : memref<1x10000xi32, #tpu.memory_space<vmem>>, vector<1x10000xi32>
    %eq3A_33 = vector.broadcast %get3A_32 : vector<1x10000xi32> to vector<64x10000xi32>
    %eq3A_34 = arith.cmpi eq, %iota3A_29, %eq3A_33 : vector<64x10000xi32>
    %convert_element_type3A = arith.extui %eq3A_34 : vector<64x10000xi1> to vector<64x10000xi32>
    %convert_element_type3A_35 = arith.sitofp %convert_element_type3A : vector<64x10000xi32> to vector<64x10000xf32>
    %get3A_36 = arith.constant 0 : index
    %get3A_37 = arith.constant 0 : index
    %get3A_38 = vector.load %arg2[%get3A_36, %get3A_37] : memref<128x128xf32, #tpu.memory_space<vmem>>, vector<128x128xf32>
    %dot_general3A_39 = arith.constant dense<0.000000e+00> : vector<10000x128xf32>
    %dot_general3A_40 = tpu.matmul %get3A_1, %get3A_38, %dot_general3A_39 {dimension_numbers = #tpu.dot_dimension_numbers<[1], [0], [0], [1], [0, 0, 1, 1], [], []>, transpose_lhs_hint = false} : vector<10000x128xf32>, vector<128x128xf32>, vector<10000x128xf32> -> vector<10000x128xf32>
    %tanh3A = math.tanh %dot_general3A_40 : vector<10000x128xf32>
    %dot_general3A_41 = arith.constant dense<0.000000e+00> : vector<64x128xf32>
    %dot_general3A_42 = tpu.matmul %convert_element_type3A_35, %tanh3A, %dot_general3A_41 {dimension_numbers = #tpu.dot_dimension_numbers<[1], [0], [0], [1], [0, 0, 1, 1], [], []>, transpose_lhs_hint = false} : vector<64x10000xf32>, vector<10000x128xf32>, vector<64x128xf32> -> vector<64x128xf32>
    %broadcast_in_dim3A_43 = arith.constant 1.000000e+00 : f32
    %broadcast_in_dim3A_44 = vector.broadcast %broadcast_in_dim3A_43 : f32 to vector<10000x1xf32>
    %dot_general3A_45 = arith.constant dense<0.000000e+00> : vector<64x1xf32>
    %dot_general3A_46 = tpu.matmul %convert_element_type3A_35, %broadcast_in_dim3A_44, %dot_general3A_45 {dimension_numbers = #tpu.dot_dimension_numbers<[1], [0], [0], [1], [0, 0, 1, 1], [], []>, transpose_lhs_hint = false} : vector<64x10000xf32>, vector<10000x1xf32>, vector<64x1xf32> -> vector<64x1xf32>
    %max3A = arith.constant 1.000000e+00 : f32
    %max3A_47 = vector.broadcast %max3A : f32 to vector<64x1xf32>
    %max3A_48 = arith.maximumf %dot_general3A_46, %max3A_47 : vector<64x1xf32>
    %div3A = vector.broadcast %max3A_48 : vector<64x1xf32> to vector<64x128xf32>
    %div3A_49 = arith.divf %dot_general3A_42, %div3A : vector<64x128xf32>
    %get3A_50 = arith.constant 0 : index
    %get3A_51 = arith.constant 0 : index
    %get3A_52 = vector.load %arg8[%get3A_50, %get3A_51] : memref<64x128xf32, #tpu.memory_space<vmem>>, vector<64x128xf32>
    %get3A_53 = arith.constant 0 : index
    %get3A_54 = arith.constant 0 : index
    %get3A_55 = vector.load %arg3[%get3A_53, %get3A_54] : memref<128x128xf32, #tpu.memory_space<vmem>>, vector<128x128xf32>
    %dot_general3A_56 = arith.constant dense<0.000000e+00> : vector<64x128xf32>
    %dot_general3A_57 = tpu.matmul %get3A_52, %get3A_55, %dot_general3A_56 {dimension_numbers = #tpu.dot_dimension_numbers<[1], [0], [0], [1], [0, 0, 1, 1], [], []>, transpose_lhs_hint = false} : vector<64x128xf32>, vector<128x128xf32>, vector<64x128xf32> -> vector<64x128xf32>
    %add3A_58 = arith.addf %div3A_49, %dot_general3A_57 : vector<64x128xf32>
    %tanh3A_59 = math.tanh %add3A_58 : vector<64x128xf32>
    %swap3A_60 = arith.constant 0 : index
    %swap3A_61 = arith.constant 0 : index
    %swap3A_62 = vector.load %arg12[%swap3A_60, %swap3A_61] : memref<64x128xf32, #tpu.memory_space<vmem>>, vector<64x128xf32>
    tpu.vector_store %arg12[%swap3A_60, %swap3A_61], %tanh3A_59 {strides = array<i32>} : memref<64x128xf32, #tpu.memory_space<vmem>>, vector<64x128xf32>,
    %gt3A = arith.constant 0.000000e+00 : f32
    %gt3A_63 = vector.broadcast %gt3A : f32 to vector<64x1xf32>
    %gt3A_64 = arith.cmpf ogt, %dot_general3A_46, %gt3A_63 : vector<64x1xf32>
    %convert_element_type3A_65 = arith.extui %gt3A_64 : vector<64x1xi1> to vector<64x1xi32>
    %convert_element_type3A_66 = arith.sitofp %convert_element_type3A_65 : vector<64x1xi32> to vector<64x1xf32>
    %get3A_67 = arith.constant 0 : index
    %get3A_68 = arith.constant 0 : index
    %get3A_69 = vector.load %arg4[%get3A_67, %get3A_68] : memref<128x128xf32, #tpu.memory_space<vmem>>, vector<128x128xf32>
    %dot_general3A_70 = arith.constant dense<0.000000e+00> : vector<64x128xf32>
    %dot_general3A_71 = tpu.matmul %tanh3A_59, %get3A_69, %dot_general3A_70 {dimension_numbers = #tpu.dot_dimension_numbers<[1], [0], [0], [1], [0, 0, 1, 1], [], []>, transpose_lhs_hint = false} : vector<64x128xf32>, vector<128x128xf32>, vector<64x128xf32> -> vector<64x128xf32>
    %mul3A_72 = vector.broadcast %convert_element_type3A_66 : vector<64x1xf32> to vector<64x128xf32>
    %mul3A_73 = arith.mulf %dot_general3A_71, %mul3A_72 : vector<64x128xf32>
    %swap3A_74 = arith.constant 0 : index
    %swap3A_75 = arith.constant 0 : index
    %swap3A_76 = vector.load %arg13[%swap3A_74, %swap3A_75] : memref<64x128xf32, #tpu.memory_space<vmem>>, vector<64x128xf32>
    tpu.vector_store %arg13[%swap3A_74, %swap3A_75], %mul3A_73 {strides = array<i32>} : memref<64x128xf32, #tpu.memory_space<vmem>>, vector<64x128xf32>,
    %get3A_77 = arith.constant 0 : index
    %get3A_78 = arith.constant 0 : index
    %get3A_79 = vector.load %arg5[%get3A_77, %get3A_78] : memref<128x1xf32, #tpu.memory_space<vmem>>, vector<128x1xf32>
    %dot_general3A_80 = arith.constant dense<0.000000e+00> : vector<10000x1xf32>
    %dot_general3A_81 = tpu.matmul %get3A_1, %get3A_79, %dot_general3A_80 {dimension_numbers = #tpu.dot_dimension_numbers<[1], [0], [0], [1], [0, 0, 1, 1], [], []>, transpose_lhs_hint = false} : vector<10000x128xf32>, vector<128x1xf32>, vector<10000x1xf32> -> vector<10000x1xf32>
    %jit3A = arith.constant -3.000000e+38 : f32
    %broadcast_in_dim3A_82 = vector.shape_cast %dot_general3A_81 : vector<10000x1xf32> to vector<10000x1xf32>
    %broadcast_in_dim3A_83 = vector.broadcast %broadcast_in_dim3A_82 : vector<10000x1xf32> to vector<10000x64xf32>
    %broadcast_in_dim3A_84 = vector.broadcast %jit3A : f32 to vector<10000x64xf32>
    %select_n3A = arith.select %eq3A_28, %broadcast_in_dim3A_83, %broadcast_in_dim3A_84 : vector<10000x64xi1>, vector<10000x64xf32>
    %reduce_max3A = arith.constant dense<0xFF800000> : vector<64xf32>
    %reduce_max3A_85 = vector.multi_reduction <maximumf>, %select_n3A, %reduce_max3A [0] : vector<10000x64xf32> to vector<64xf32>
    %broadcast_in_dim3A_86 = vector.shape_cast %reduce_max3A_85 : vector<64xf32> to vector<1x64xf32>
    %jit3A_87 = arith.constant -3.000000e+38 : f32
    %broadcast_in_dim3A_88 = vector.shape_cast %broadcast_in_dim3A_86 : vector<1x64xf32> to vector<1x64xf32>
    %broadcast_in_dim3A_89 = vector.broadcast %broadcast_in_dim3A_88 : vector<1x64xf32> to vector<10000x64xf32>
    %broadcast_in_dim3A_90 = vector.broadcast %jit3A_87 : f32 to vector<10000x64xf32>
    %select_n3A_91 = arith.select %eq3A_28, %broadcast_in_dim3A_89, %broadcast_in_dim3A_90 : vector<10000x64xi1>, vector<10000x64xf32>
    %reduce_max3A_92 = arith.constant dense<0xFF800000> : vector<10000xf32>
    %reduce_max3A_93 = vector.multi_reduction <maximumf>, %select_n3A_91, %reduce_max3A_92 [1] : vector<10000x64xf32> to vector<10000xf32>
    %broadcast_in_dim3A_94 = vector.shape_cast %reduce_max3A_93 : vector<10000xf32> to vector<10000x1xf32>
    %iota3A_95 = tpu.iota {dimensions = array<i32: 0>} : vector<10000x1xi32>
    %convert_element_type3A_96 = arith.sitofp %iota3A_95 : vector<10000x1xi32> to vector<10000x1xf32>
    %ge3A = arith.cmpf oge, %dot_general3A_81, %broadcast_in_dim3A_94 : vector<10000x1xf32>
    %jit3A_97 = arith.constant 1.000000e+04 : f32
    %broadcast_in_dim3A_98 = vector.broadcast %jit3A_97 : f32 to vector<10000x1xf32>
    %select_n3A_99 = arith.select %ge3A, %convert_element_type3A_96, %broadcast_in_dim3A_98 : vector<10000x1xi1>, vector<10000x1xf32>
    %jit3A_100 = arith.constant 1.000000e+04 : f32
    %broadcast_in_dim3A_101 = vector.shape_cast %select_n3A_99 : vector<10000x1xf32> to vector<10000x1xf32>
    %broadcast_in_dim3A_102 = vector.broadcast %broadcast_in_dim3A_101 : vector<10000x1xf32> to vector<10000x64xf32>
    %broadcast_in_dim3A_103 = vector.broadcast %jit3A_100 : f32 to vector<10000x64xf32>
    %select_n3A_104 = arith.select %eq3A_28, %broadcast_in_dim3A_102, %broadcast_in_dim3A_103 : vector<10000x64xi1>, vector<10000x64xf32>
    %reduce_min3A = arith.constant dense<0x7F800000> : vector<64xf32>
    %reduce_min3A_105 = vector.multi_reduction <minimumf>, %select_n3A_104, %reduce_min3A [0] : vector<10000x64xf32> to vector<64xf32>
    %broadcast_in_dim3A_106 = vector.shape_cast %reduce_min3A_105 : vector<64xf32> to vector<1x64xf32>
    %jit3A_107 = arith.constant 0.000000e+00 : f32
    %jit3A_108 = arith.constant 9.999000e+03 : f32
    %max3A_109 = vector.broadcast %jit3A_107 : f32 to vector<1x64xf32>
    %max3A_110 = arith.maximumf %max3A_109, %broadcast_in_dim3A_106 : vector<1x64xf32>
    %min3A = vector.broadcast %jit3A_108 : f32 to vector<1x64xf32>
    %min3A_111 = arith.minimumf %min3A, %max3A_110 : vector<1x64xf32>
    %convert_element_type3A_112 = arith.fptosi %min3A_111 : vector<1x64xf32> to vector<1x64xi32>
    %swap3A_113 = arith.constant 0 : index
    %swap3A_114 = arith.constant 0 : index
    %swap3A_115 = vector.load %arg14[%swap3A_113, %swap3A_114] : memref<1x64xi32, #tpu.memory_space<vmem>>, vector<1x64xi32>
    tpu.vector_store %arg14[%swap3A_113, %swap3A_114], %convert_element_type3A_112 {strides = array<i32>} : memref<1x64xi32, #tpu.memory_space<vmem>>, vector<1x64xi32>,
    return
  }
}

module attributes {stable_mosaic.version = 14 : i64} {
  func.func @_final_body(%arg0: memref<2x10112x128xf32, #tpu.memory_space<vmem>>, %arg1: memref<10112x128xf32, #tpu.memory_space<vmem>>, %arg2: memref<10000x1xf32, #tpu.memory_space<vmem>>, %arg3: memref<64x128xf32, #tpu.memory_space<vmem>>, %arg4: memref<1x64xi32, #tpu.memory_space<vmem>>, %arg5: memref<1x128xf32, #tpu.memory_space<vmem>>, %arg6: memref<10000x128xf32, #tpu.memory_space<vmem>>) attributes {dimension_semantics = [], scalar_prefetch = 0 : i64, scratch_operands = 0 : i64, tpu.core_type = #tpu.core_type<tc>} {
    %get3A = arith.constant 0 : index
    %get3A_0 = arith.constant 0 : index
    %get3A_1 = arith.constant 0 : index
    %get3A_2 = vector.load %arg0[%get3A, %get3A_0, %get3A_1] : memref<2x10112x128xf32, #tpu.memory_space<vmem>>, vector<1x10000x128xf32>
    %get3A_3 = vector.shape_cast %get3A_2 : vector<1x10000x128xf32> to vector<10000x128xf32>
    %get3A_4 = arith.constant 1 : index
    %get3A_5 = arith.constant 0 : index
    %get3A_6 = arith.constant 0 : index
    %get3A_7 = vector.load %arg0[%get3A_4, %get3A_5, %get3A_6] : memref<2x10112x128xf32, #tpu.memory_space<vmem>>, vector<1x10000x128xf32>
    %get3A_8 = vector.shape_cast %get3A_7 : vector<1x10000x128xf32> to vector<10000x128xf32>
    %add3A = arith.addf %get3A_3, %get3A_8 : vector<10000x128xf32>
    %get3A_9 = arith.constant 0 : index
    %get3A_10 = arith.constant 0 : index
    %get3A_11 = vector.load %arg1[%get3A_9, %get3A_10] : memref<10112x128xf32, #tpu.memory_space<vmem>>, vector<10000x128xf32>
    %iota3A = tpu.iota {dimensions = array<i32: 0>} : vector<10000x64xi32>
    %get3A_12 = arith.constant 0 : index
    %get3A_13 = arith.constant 0 : index
    %get3A_14 = vector.load %arg4[%get3A_12, %get3A_13] : memref<1x64xi32, #tpu.memory_space<vmem>>, vector<1x64xi32>
    %eq3A = vector.broadcast %get3A_14 : vector<1x64xi32> to vector<10000x64xi32>
    %eq3A_15 = arith.cmpi eq, %iota3A, %eq3A : vector<10000x64xi32>
    %convert_element_type3A = arith.extui %eq3A_15 : vector<10000x64xi1> to vector<10000x64xi32>
    %convert_element_type3A_16 = arith.sitofp %convert_element_type3A : vector<10000x64xi32> to vector<10000x64xf32>
    %get3A_17 = arith.constant 0 : index
    %get3A_18 = arith.constant 0 : index
    %get3A_19 = vector.load %arg3[%get3A_17, %get3A_18] : memref<64x128xf32, #tpu.memory_space<vmem>>, vector<64x128xf32>
    %dot_general3A = arith.constant dense<0.000000e+00> : vector<10000x128xf32>
    %dot_general3A_20 = tpu.matmul %convert_element_type3A_16, %get3A_19, %dot_general3A {dimension_numbers = #tpu.dot_dimension_numbers<[1], [0], [0], [1], [0, 0, 1, 1], [], []>, transpose_lhs_hint = false} : vector<10000x64xf32>, vector<64x128xf32>, vector<10000x128xf32> -> vector<10000x128xf32>
    %get3A_21 = arith.constant 0 : index
    %get3A_22 = arith.constant 0 : index
    %get3A_23 = vector.load %arg2[%get3A_21, %get3A_22] : memref<10000x1xf32, #tpu.memory_space<vmem>>, vector<10000x1xf32>
    %add3A_24 = arith.addf %add3A, %get3A_11 : vector<10000x128xf32>
    %mul3A = vector.broadcast %get3A_23 : vector<10000x1xf32> to vector<10000x128xf32>
    %mul3A_25 = arith.mulf %mul3A, %add3A_24 : vector<10000x128xf32>
    %add3A_26 = arith.addf %mul3A_25, %dot_general3A_20 : vector<10000x128xf32>
    %get3A_27 = arith.constant 0 : index
    %get3A_28 = arith.constant 0 : index
    %get3A_29 = vector.load %arg5[%get3A_27, %get3A_28] : memref<1x128xf32, #tpu.memory_space<vmem>>, vector<1x128xf32>
    %add3A_30 = vector.broadcast %get3A_29 : vector<1x128xf32> to vector<10000x128xf32>
    %add3A_31 = arith.addf %add3A_26, %add3A_30 : vector<10000x128xf32>
    %max3A = arith.constant 0.000000e+00 : f32
    %max3A_32 = vector.broadcast %max3A : f32 to vector<10000x128xf32>
    %max3A_33 = arith.maximumf %add3A_31, %max3A_32 : vector<10000x128xf32>
    %mul3A_34 = arith.mulf %max3A_33, %max3A_33 : vector<10000x128xf32>
    %reduce_sum3A = arith.constant dense<0.000000e+00> : vector<10000xf32>
    %reduce_sum3A_35 = vector.multi_reduction <add>, %mul3A_34, %reduce_sum3A [1] : vector<10000x128xf32> to vector<10000xf32>
    %broadcast_in_dim3A = vector.shape_cast %reduce_sum3A_35 : vector<10000xf32> to vector<10000x1xf32>
    %sqrt3A = math.sqrt %broadcast_in_dim3A : vector<10000x1xf32>
    %max3A_36 = arith.constant 9.99999996E-13 : f32
    %max3A_37 = vector.broadcast %max3A_36 : f32 to vector<10000x1xf32>
    %max3A_38 = arith.maximumf %sqrt3A, %max3A_37 : vector<10000x1xf32>
    %div3A = vector.broadcast %max3A_38 : vector<10000x1xf32> to vector<10000x128xf32>
    %div3A_39 = arith.divf %max3A_33, %div3A : vector<10000x128xf32>
    %swap3A = arith.constant 0 : index
    %swap3A_40 = arith.constant 0 : index
    %swap3A_41 = vector.load %arg6[%swap3A, %swap3A_40] : memref<10000x128xf32, #tpu.memory_space<vmem>>, vector<10000x128xf32>
    tpu.vector_store %arg6[%swap3A, %swap3A_40], %div3A_39 {strides = array<i32>} : memref<10000x128xf32, #tpu.memory_space<vmem>>, vector<10000x128xf32>,
    return
  }
}

</mosaic_0001>

<sc_bundles>
// kernel: kernel.6.cloned.1.call-start
scs
__scs_entry_jumppad:
0x0: {  	(pc) =	sbr.rel $0x88, $3  }
0x1: {  	(tag) =	ssettag $0x0;
	lr =	simm.s32 $0x1  }
0x2: {  	[smem:$0x3F97] =	sst lr;
	_ =	strace $0xD0000000  }
0x3: {  	_ = 	snop  }
0x4: {  	_ = 	snop  }
0x5: {  	_ = 	snop  }
0x6: {  	_ = 	snop  }
0x7: {  	_ = 	snop  }
__scs_overlays_trampoline_lowered:
0x8: {  	[smem:$0x3FA6] =	sst s0  }
0x9: {  	[smem:$0x3FA7] =	sst s1  }
0xa: {  	[smem:$0x3FA8] =	sst s2  }
0xb: {  	[smem:$0x3FA9] =	sst s3  }
0xc: {  	[smem:$0x3FAA] =	sst s4  }
0xd: {  	[smem:$0x3FAB] =	sst s5  }
0xe: {  	[smem:$0x3FAC] =	sst s6  }
0xf: {  	[smem:$0x3FAD] =	sst s7  }
0x10: {  	[smem:$0x3FAE] =	sst s8  }
0x11: {  	[smem:$0x3FAF] =	sst s9;
	s0 =	simm.s32 @!p0 $0x0  }
0x12: {  	s1 =	sld [smem:$0x3F95];
	s0 =	simm.s32 @p0 $0x1  }
0x13: {  	[smem:$0x3FB0] =	sst s0;
	s0 =	simm.s32 @!p1 $0x0  }
0x14: {  	s2 =	sld [smem:$0x3F94];
	s0 =	simm.s32 @p1 $0x1  }
0x15: {  	[smem:$0x3FB1] =	sst s0;
	s0 =	simm.s32 @!p2 $0x0  }
0x16: {  	s3 =	sld [smem:$0x3FDB];
	s0 =	simm.s32 @p2 $0x1  }
0x17: {  	s4 =	simm.s32 $0x1BF5;
	[smem:$0x3FB3] =	sst s0  }
0x18: {  	s0 =	sld [smem:$0x3F96];
	_ =	swait.ge [sflag:s4], $0x0  }
0x19: {  	s7 =	sld [smem:$0x3F97]  }
0x1a: {  	s8 =	sadd.s32 $0xFFFFE003, lr  }
0x1b: {  	s9 =	sadd.s32 $0xFFFFFEF7, lr;
	s5 =	simm.s32 $0xFFFFFFFF;
	p2 =	slt.u32 s8, $0xFFFFF086  }
0x1c: {  	p1 =	slt.u32 s9, $0xF7A;
	s5 =	simm.s32 @!p2 $0x0  }
0x1d: {  	s5 =	simm.s32 @p1 $0x1;
	p0 =	seq.s32 s7, s2  }
0x1e: {  	s7 =	smul.u32 @!p0 $0xF7A, s2;
	p2 =	seq.s32 @!p0 s5, $0x0  }
0x1f: {  	s9 =	smul.u32 $0xF7A, s1;
	s8 =	simm.s32 @!p0 $0x1BF5;
	p2 =	por !p2, p0  }
0x20: {  	[sflag:s8] =	ssyncset.s32 @!p0 $0xFFFFF086;
	s6 =	sadd.s32 @!p0 s3, s7;
	s7 =	simm.s32 @!p0 $0x108  }
0x21: {  	s3 =	sadd.s32 s3, s9;
	s6 =	sadd.s32 @!p0 $0x88, s6;
	s7 =	simm.s32 @p2 $0x1082  }
0x22: {  	[simem:s7], [sflag:s8] =	dma.local @!p0 [hbm:s6], $0xF7A  }
0x23: {  	s9 =	sor.u32 $0xD0000000, s2;
	s6 =	simm.s32 $0x108;
	_ =	swait.ge @!p0 [sflag:s8], $0x0  }
0x24: {  	s3 =	sadd.s32 $0x88, s3;
	s6 =	simm.s32 @!p1 $0x1082;
	[sflag:s4] =	ssyncset.s32 $0xFFFFF086  }
0x25: {  	[simem:s6], [sflag:s4] =	dma.local [hbm:s3], $0xF7A  }
0x26: {  	[smem:$0x3F97] =	sst s1;
	(tag) =	ssettag s2;
	_ =	strace s9  }
0x27: {  	s1 =	sld [smem:$0x3FA7]  }
0x28: {  	s2 =	sld [smem:$0x3FA8]  }
0x29: {  	s4 =	sld [smem:$0x3FAA]  }
0x2a: {  	p0 =	seq.s32 s5, $0x0;
	s5 =	sld [smem:$0x3FAB]  }
0x2b: {  	s6 =	sld [smem:$0x3FAC]  }
0x2c: {  	s7 =	sld [smem:$0x3FAD]  }
0x2d: {  	s3 =	simm.s32 $0x108;
	s8 =	sld [smem:$0x3FAE]  }
0x2e: {  	s3 =	simm.s32 @!p0 $0x1082;
	s9 =	sld [smem:$0x3FAF]  }
0x2f: {  	lr =	sadd.s32 s0, s3;
	s0 =	sld [smem:$0x3FA6]  }
0x30: {  	s3 =	sld [smem:$0x3FA9]  }
0x31: {  	[smem:$0x3FB2] =	sst s10  }
0x32: {  	s10 =	sld [smem:$0x3FB0];
	_ =	sdelay $0x3  }
0x33: {  	p0 =	seq.s32 s10, $0x1;
	s10 =	sld [smem:$0x3FB2];
	_ =	sdelay $0x3  }
0x34: {  	[smem:$0x3FB2] =	sst s10  }
0x35: {  	s10 =	sld [smem:$0x3FB1];
	_ =	sdelay $0x3  }
0x36: {  	p1 =	seq.s32 s10, $0x1;
	s10 =	sld [smem:$0x3FB2];
	_ =	sdelay $0x3  }
0x37: {  	[smem:$0x3FB2] =	sst s10  }
0x38: {  	s10 =	sld [smem:$0x3FB3]  }
0x39: {  	_ = 	snop;
	(pc) =	sbr.ind lr, $3  }
0x3a: {  	_ = 	snop  }
0x3b: {  	_ = 	snop  }
0x3c: {  	p2 =	seq.s32 s10, $0x1;
	s10 =	sld [smem:$0x3FB2]  }
0x3d: {  	_ =	shalt  }
0x3e: {  	_ =	shalt  }
0x3f: {  	_ =	shalt  }
0x40: {  	_ =	shalt  }
0x41: {  	_ =	shalt  }
0x42: {  	_ =	shalt  }
0x43: {  	_ =	shalt  }
0x44: {  	_ =	shalt  }
0x45: {  	_ =	shalt  }
0x46: {  	_ =	shalt  }
0x47: {  	_ =	shalt  }
0x48: {  	_ =	shalt  }
0x49: {  	_ =	shalt  }
0x4a: {  	_ =	shalt  }
0x4b: {  	_ =	shalt  }
0x4c: {  	_ =	shalt  }
0x4d: {  	_ =	shalt  }
0x4e: {  	_ =	shalt  }
0x4f: {  	_ =	shalt  }
0x50: {  	_ =	shalt  }
0x51: {  	_ =	shalt  }
0x52: {  	_ =	shalt  }
0x53: {  	_ =	shalt  }
0x54: {  	_ =	shalt  }
0x55: {  	_ =	shalt  }
0x56: {  	_ =	shalt  }
0x57: {  	_ =	shalt  }
0x58: {  	_ =	shalt  }
0x59: {  	_ =	shalt  }
0x5a: {  	_ =	shalt  }
0x5b: {  	_ =	shalt  }
0x5c: {  	_ =	shalt  }
0x5d: {  	_ =	shalt  }
0x5e: {  	_ =	shalt  }
0x5f: {  	_ =	shalt  }
0x60: {  	_ =	shalt  }
0x61: {  	_ =	shalt  }
0x62: {  	_ =	shalt  }
0x63: {  	_ =	shalt  }
0x64: {  	_ =	shalt  }
0x65: {  	_ =	shalt  }
0x66: {  	_ =	shalt  }
0x67: {  	_ =	shalt  }
0x68: {  	_ =	shalt  }
0x69: {  	_ =	shalt  }
0x6a: {  	_ =	shalt  }
0x6b: {  	_ =	shalt  }
0x6c: {  	_ =	shalt  }
0x6d: {  	_ =	shalt  }
0x6e: {  	_ =	shalt  }
0x6f: {  	_ =	shalt  }
0x70: {  	_ =	shalt  }
0x71: {  	_ =	shalt  }
0x72: {  	_ =	shalt  }
0x73: {  	_ =	shalt  }
0x74: {  	_ =	shalt  }
0x75: {  	_ =	shalt  }
0x76: {  	_ =	shalt  }
0x77: {  	_ =	shalt  }
0x78: {  	_ =	shalt  }
0x79: {  	_ =	shalt  }
0x7a: {  	_ =	shalt  }
0x7b: {  	_ =	shalt  }
0x7c: {  	_ =	shalt  }
0x7d: {  	_ =	shalt  }
0x7e: {  	_ =	shalt  }
0x7f: {  	_ =	shalt  }
0x80: {  	_ =	shalt  }
0x81: {  	_ =	shalt  }
0x82: {  	_ =	shalt  }
0x83: {  	_ =	shalt  }
0x84: {  	_ =	shalt  }
0x85: {  	_ =	shalt  }
0x86: {  	_ =	shalt  }
0x87: {  	_ =	shalt  }
.Lfunc_end0:
.L_simem_size_0:
called_computation_lowered:
.L_overlay_start_0:
0x88: {  	s2 =	sld [smem:$0x3FD9]  }
0x89: {  	s3 =	sld [smem:$0x3FFE];
	_ =	sdelay $0x1  }
0x8a: {  	s1 =	srdreg.scid  }
0x8b: {  	s0 =	sand.u32 $0x1, s1  }
0x8c: {  	s14 =	sshll.u32 s0, $0xA;
	s2 =	sadd.s32 s3, s2  }
0x8d: {  	s2 =	sadd.s32 s2, s14  }
0x8e: {  	[smem:$0x3FBE] =	sst s2  }
0x8f: {  	_ = 	snop  }
0x90: {  	s2 =	sld [smem:$0x3FD0];
	_ =	sdelay $0x2  }
0x91: {  	s15 =	simm.s32 $0xA;
	s4 =	simm.s32 $0x10  }
0x92: {  	[smem:s4], [sflag:s15] =	dma.local [hbm:s2], $0x1  }
0x93: {  	_ =	swait.eq [sflag:s15], $0x1  }
0x94: {  	[sflag:s15] =	ssyncset.done $0x0  }
0x95: {  	[sflag:s15] =	ssyncadd.s32 $0xFFFFFFFF  }
0x96: {  	s16 =	sld [smem:$0x10];
	(tm) =	ssettm $0x1  }
0x97: {  	s17 =	sld [smem:$0x3FFB];
	_ =	sdelay $0x3  }
0x98: {  	_ =	strace s17  }
0x99: {  	s3 =	sld [smem:$0x3FFC];
	_ =	sdelay $0x3  }
0x9a: {  	_ =	strace s3  }
0x9b: {  	s3 =	sld [smem:$0x3FFD];
	_ =	sdelay $0x3  }
0x9c: {  	_ =	strace s3  }
0x9d: {  	_ =	strace $0x8FFFFFFF  }
0x9e: {  	s18 =	sld [smem:$0x3FDB];
	_ =	sdelay $0x1  }
0x9f: {  	s19 =	simm.s32 $_scs_section_size  }
0xa0: {  	s5 =	simm.s32 $_size__tile_overlayer_lowered;
	s6 =	simm.s32 $_tile_overlayer_lowered  }
0xa1: {  	s22 =	simm.s32 $0x1BFF;
	s21 =	sshll.u32 s6, $0x1;
	s3 =	sadd.s32 s19, s18  }
0xa2: {  	s7 =	simm.s32 $0x0;
	s20 =	sshll.u32 s5, $0x1;
	s5 =	sadd.s32 s21, s3  }
0xa3: {  	[timem:s7], [sflag:s22] =	dma.local [hbm:s5], s20  }
0xa4: {  	_ =	swait.ge [sflag:s22], s20  }
0xa5: {  	s4 =	ssub.s32 $0x0, s20;
	[sflag:s22] =	ssyncset.done $0x0  }
0xa6: {  	[sflag:s22] =	ssyncadd.s32 s4;
	_ =	sdelay $0x1  }
0xa7: {  	s23 =	simm.s32 $0x1B8B  }
0xa8: {  	_ =	swait.ge [sflag:s23], $0x1  }
0xa9: {  	[sflag:s23] =	ssyncset.done $0x0  }
0xaa: {  	s25 =	simm.s32 $0x1B8E;
	s24 =	sld [smem:$0x3FFE];
	[sflag:s23] =	ssyncadd.s32 $0xFFFFFFFF  }
0xab: {  	s26 =	simm.s32 $execute0_lowered;
	[smem:$0x3FD2] =	sst s25  }
0xac: {  	s5 =	sshll.u32 s26, $0x1;
	_ =	strace $0x80000046;
	[dreg:$0x1] =	wrdreg $0xFFFFFFFF  }
0xad: {  	s28 =	simm.s32 $_size_execute0_lowered;
	s3 =	sadd.s32 s3, s5;
	[dreg:$0x0] =	wrdreg $0x0  }
0xae: {  	s5 =	sshll.u32 s28, $0x1;
	[dreg:$0x2] =	wrdreg s3  }
0xaf: {  	[dreg:$0x3] =	wrdreg s5  }
0xb0: {  	[dreg:$0x4] =	wrdreg $0xC0  }
0xb1: {  	_ =	task [dreg:s7], $0x5FFFF  }
0xb2: {  	[dreg:$0x1] =	wrdreg $0xFFFFFFFF  }
0xb3: {  	[dreg:$0x0] =	wrdreg $0x60  }
0xb4: {  	[dreg:$0x2] =	wrdreg s24  }
0xb5: {  	[dreg:$0x3] =	wrdreg s16  }
0xb6: {  	[dreg:$0x4] =	wrdreg $0x2B000  }
0xb7: {  	[dreg:$0x5] =	wrdreg $0x9  }
0xb8: {  	_ =	task.clear_ibuf [dreg:s7], $0x6FFFF;
	_ =	strace $0x90000046  }
0xb9: {  	s29 =	simm.s32 $0x9;
	_ =	strace $0x80000048  }
0xba: {  	_ =	swait.ge [sflag:s29], $0x1  }
0xbb: {  	[sflag:s29] =	ssyncadd.s32 $0xFFFFFFFF  }
0xbc: {  	_ =	strace $0x90000048  }
0xbd: {  	_ =	sfence  }
0xbe: {  	s30 =	sld [smem:$0x0];
	_ =	sdelay $0x2  }
0xbf: {  	s31 =	sshll.u32 s1, $0xD;
	s1 =	sshrl.u32 s1, $0x2  }
0xc0: {  	s3 =	sand.u32 $0x4000, s31;
	s1 =	sadd.s32 s1, s30  }
0xc1: {  	s0 =	sor.u32 s3, s0;
	s1 =	sshll.u32 s1, $0x11  }
0xc2: {  	s0 =	sor.u32 s1, s0  }
0xc3: {  	s0 =	sadd.s32 $0x8F2B, s0  }
0xc4: {  	[sflag:s0] =	ssyncadd.remote.s32 $0x1  }
0xc5: {  	_ =	sfence.sel $0xFFFF  }
0xc6: {  	[dreg:$0x0] =	wrdreg $0xFFFFFFFF;
	(pc) =	sbr.abs _section_cstart, $3  }
0xc7: {  	[dreg:$0x1] =	wrdreg $0xFFFFFFFF  }
0xc8: {  	_ =	task.clear_ibuf [dreg:s7], $0x2FFFF;
	_ =	strace $0x9FFFFFFF  }
0xc9: {  	(tm) =	ssettm $0x7FFFFFFF  }
tec
execute0_lowered:
.L_overlay_start_1:
0x0: {  	(tag) =	ssettag $0x1  }
0x1: {  	s3 =	rddreg [dreg:$0x0];
	s0 =	srdreg.scid  }
0x2: {  	s10 =	stileid.u32;
	s5 =	rddreg [dreg:$0x1]  }
0x3: {  	s1 =	rddreg [dreg:$0x2];
	s2 =	simm.s32 $0x0;
	s12 =	simm.s32 $0x0  }
0x4: {  	s6 =	sand.u32 $0x1, s0;
	s30 =	sshll.u32 s10, $0x1;
	s0 =	rddreg [dreg:$0x3]  }
0x5: {  	[smem:$0x7FF] =	sst s2;
	s8 =	smul.u32 $0x9E0, s10;
	p0 =	sne.s32 s10, $0x0  }
0x6: {  	s10 =	simm.s32 $0x2800;
	s4 =	sor.u32 s6, s30;
	s7 =	ssub.s32 $0x2, s6  }
0x7: {  	_ =	strace $0x80000047;
	s6 =	sshll.u32 s6, $0x4;
	s11 =	sshrl.u32 @!p0 s1, $0x3  }
0x8: {  	s4 =	smul.u32 $0x500, s4;
	s9 =	sshrl.u32 s7, $0x1;
	s31 =	sshrl.u32 s8, $0x2  }
0x9: {  	s5 =	sadd.s32 s5, s6;
	s8 =	simm.s32 $0x1;
	s7 =	ssub.s32 s7, s9  }
0xa: {  	s9 =	simm.s32 $0x80;
	s4 =	sadd.s32 s4, s3;
	s3 =	sadd.s32 s31, s1  }
0xb: {  	v0 =	vimm.f32 $0.0e+00;
	v1 =	vimm.f32 $1.000000000e+00;
	s6 =	smax.u32 s7, $0x1;
	s7 =	simm.s32 $0x2880;
	s4 =	sadd.s32 $0xC800, s4  }
.LBB2_1:
0xc: {  	[tilespmem:$0x2880] =	vst v0  }
0xd: {  	[tilespmem:$0x2890] =	vst v0  }
0xe: {  	[tilespmem:$0x28A0] =	vst v0  }
0xf: {  	[tilespmem:$0x28B0] =	vst v0  }
0x10: {  	[tilespmem:$0x28C0] =	vst v0  }
0x11: {  	[tilespmem:$0x28D0] =	vst v0  }
0x12: {  	[tilespmem:$0x28E0] =	vst v0  }
0x13: {  	[tilespmem:$0x28F0] =	vst v0  }
0x14: {  	[tilespmem:$0x2900] =	vst v0  }
0x15: {  	[tilespmem:$0x2910] =	vst v0  }
0x16: {  	[tilespmem:$0x2920] =	vst v0  }
0x17: {  	[tilespmem:$0x2930] =	vst v0  }
0x18: {  	[tilespmem:$0x2940] =	vst v0  }
0x19: {  	[tilespmem:$0x2950] =	vst v0  }
0x1a: {  	[tilespmem:$0x2960] =	vst v0  }
0x1b: {  	[tilespmem:$0x2970] =	vst v0  }
0x1c: {  	[tilespmem:$0x2980] =	vst v0  }
0x1d: {  	[tilespmem:$0x2990] =	vst v0  }
0x1e: {  	[tilespmem:$0x29A0] =	vst v0  }
0x1f: {  	[tilespmem:$0x29B0] =	vst v0  }
0x20: {  	[tilespmem:$0x29C0] =	vst v0  }
0x21: {  	[tilespmem:$0x29D0] =	vst v0  }
0x22: {  	[tilespmem:$0x29E0] =	vst v0  }
0x23: {  	[tilespmem:$0x29F0] =	vst v0  }
0x24: {  	[tilespmem:$0x2A00] =	vst v0  }
0x25: {  	[tilespmem:$0x2A10] =	vst v0  }
0x26: {  	[tilespmem:$0x2A20] =	vst v0  }
0x27: {  	[tilespmem:$0x2A30] =	vst v0  }
0x28: {  	[tilespmem:$0x2A40] =	vst v0  }
0x29: {  	[tilespmem:$0x2A50] =	vst v0  }
0x2a: {  	[tilespmem:$0x2A60] =	vst v0  }
0x2b: {  	[tilespmem:$0x2A70] =	vst v0  }
0x2c: {  	[tilespmem:$0x2A80] =	vst v0  }
0x2d: {  	[tilespmem:$0x2A90] =	vst v0  }
0x2e: {  	[tilespmem:$0x2AA0] =	vst v0  }
0x2f: {  	[tilespmem:$0x2AB0] =	vst v0  }
0x30: {  	[tilespmem:$0x2AC0] =	vst v0  }
0x31: {  	[tilespmem:$0x2AD0] =	vst v0  }
0x32: {  	[tilespmem:$0x2AE0] =	vst v0  }
0x33: {  	[tilespmem:$0x2AF0] =	vst v0  }
0x34: {  	[spmem:s3] =	stream.linear.scatter [tilespmem:s7], [sflag:$0x1], $0x278, $0x38;
	[tilespmem:$0x2D78] =	vst v63  }
0x35: {  	_ =	swait.ge [sflag:s8], $0x278  }
0x36: {  	[sflag:s8] =	ssyncset.done $0x0  }
0x37: {  	[sflag:s8] =	ssyncadd.s32 $0xFFFFFD88  }
0x38: {  	[tilespmem:$0x2800] =	vst v1  }
0x39: {  	[tilespmem:$0x2810] =	vst v1  }
0x3a: {  	[tilespmem:$0x2820] =	vst v1  }
0x3b: {  	[tilespmem:$0x2830] =	vst v1  }
0x3c: {  	[tilespmem:$0x2840] =	vst v1  }
0x3d: {  	[tilespmem:$0x2850] =	vst v1  }
0x3e: {  	[tilespmem:$0x2860] =	vst v1  }
0x3f: {  	[tilespmem:$0x2870] =	vst v1  }
0x40: {  	[tilespmem:s2], [sflag:$0x1] =	stream.linear.gather [hbm4b:s4+s2], $0x2800, $0x38;
	[tilespmem:$0x2D78] =	vst v63  }
0x41: {  	_ =	swait.ge [sflag:s8], $0x2800  }
0x42: {  	[sflag:s8] =	ssyncset.done $0x0  }
0x43: {  	[sflag:s8] =	ssyncadd.s32 $0xFFFFD800  }
0x44: {  	s13 =	simm.s32 $0x0;
	[bflag:$0x0] =	sbarrier.arrive $0xFFFF  }
0x45: {  	[spmem:s1] =	stream.indirect.scatter.add.f32 [tilespmem:s10], [sflag:$0x1], $0x1, s13, s9, $0xb8;
	[tilespmem:$0x2D78] =	vst v63  }
0x46: {  	_ =	swait.ge [sflag:s8], $0x80  }
0x47: {  	s13 =	simm.s32 $0x200;
	[sflag:s8] =	ssyncset.done $0x0  }
.LBB2_2:
0x48: {  	s14 =	sshra.s32 s13, $0x2;
	[sflag:s8] =	ssyncadd.s32 $0xFFFFFF80;
	p1 =	sne.s32 s13, $0x9E00  }
0x49: {  	[spmem:s1] =	stream.indirect.scatter.add.f32 [tilespmem:s10], [sflag:$0x1], $0x1, s14, s9, $0xb8;
	[tilespmem:$0x2D78] =	vst v63  }
.Ltmp0:
0x4a: {  	_ = 	snop;
	(pc) =	sbr.rel @p1 .LBB2_2-.Ltmp0, $4  }
0x4b: {  	_ = 	snop  }
0x4c: {  	s13 =	sadd.s32 $0x200, s13  }
0x4d: {  	_ =	swait.ge [sflag:s8], $0x80  }
0x4e: {  	[sflag:s8] =	ssyncset.done $0x0  }
0x4f: {  	[sflag:s8] =	ssyncadd.s32 $0xFFFFFF80;
	s13 =	simm.s32 @!p0 $0x1;
	s12 =	sadd.s32 $0x1, s12  }
0x50: {  	s14 =	simm.s32 @!p0 $0x20;
	s15 =	simm.s32 @!p0 $0x10;
	p1 =	sne.s32 s12, s6  }
.Ltmp1:
0x51: {  	s16 =	simm.s32 @!p0 $0x1C01;
	[bflag:$0x0] =	sbarrier.arrive $0xFFFF;
	(pc) =	sbr.rel @p1 .LBB2_1-.Ltmp1, $4  }
0x52: {  	[hbm:s5@s14], [sflag:s16] =	dma.strided @!p0 [spmem:s11@s15], $0x4F0, s13, $0x10   }
0x53: {  	_ =	swait.ge @!p0 [sflag:s13], $0x4F0  }
0x54: {  	[sflag:s13] =	ssyncset.done @!p0 $0x0  }
0x55: {  	[sflag:s13] =	ssyncadd.s32 @!p0 $0xFFFFFB10  }
0x56: {  	_ =	sfence.sel $0x180000  }
0x57: {  	[bflag:$0x0] =	sbarrier.arrive $0xFFFF  }
0x58: {  	_ =	strace $0x90000047  }
0x59: {  	s0 =	sadd.s32 @!p0 $0x100000, s0;
	[bflag:$0x2] =	sbarrier.arrive $0xFFFF  }
0x5a: {  	[sflag:s0] =	ssyncadd.tile.s32 @!p0 $0x1;
	_ =	shalt  }
.Lfunc_end2:
_tile_overlayer_lowered:
.L_overlay_start_2:
0x5b: {  	(tag) =	ssettag $0x2  }
0x5c: {  	s0 =	rddreg [dreg:$0x0];
	s2 =	stileid.u32  }
0x5d: {  	s1 =	rddreg [dreg:$0x1];
	p0 =	sne.s32 s2, $0x0  }
0x5e: {  	s3 =	rddreg [dreg:$0x2];
	[bflag:$0x3] =	sbarrier.arrive $0xFFFF;
	s2 =	simm.s32 @!p0 $0x1C01  }
0x5f: {  	[timem:s3], [sflag:s2] =	dma.local @!p0 [hbm:s0], s1  }
0x60: {  	s0 =	simm.s32 @!p0 $0x1  }
0x61: {  	_ =	swait.ge @!p0 [sflag:s0], s1  }
0x62: {  	s1 =	ssub.s32 @!p0 $0x0, s1;
	[sflag:s0] =	ssyncset.done @!p0 $0x0  }
0x63: {  	[sflag:s0] =	ssyncadd.s32 @!p0 s1  }
0x64: {  	[bflag:$0x3] =	sbarrier.arrive $0xFFFF  }
0x65: {  	_ =	shalt  }

// kernel: kernel.9.cloned.1.call-start
scs
__scs_entry_jumppad:
0x0: {  	(pc) =	sbr.rel $0x88, $3  }
0x1: {  	(tag) =	ssettag $0x0;
	lr =	simm.s32 $0x1  }
0x2: {  	[smem:$0x3F97] =	sst lr;
	_ =	strace $0xD0000000  }
0x3: {  	_ = 	snop  }
0x4: {  	_ = 	snop  }
0x5: {  	_ = 	snop  }
0x6: {  	_ = 	snop  }
0x7: {  	_ = 	snop  }
__scs_overlays_trampoline_lowered:
0x8: {  	[smem:$0x3FA6] =	sst s0  }
0x9: {  	[smem:$0x3FA7] =	sst s1  }
0xa: {  	[smem:$0x3FA8] =	sst s2  }
0xb: {  	[smem:$0x3FA9] =	sst s3  }
0xc: {  	[smem:$0x3FAA] =	sst s4  }
0xd: {  	[smem:$0x3FAB] =	sst s5  }
0xe: {  	[smem:$0x3FAC] =	sst s6  }
0xf: {  	[smem:$0x3FAD] =	sst s7  }
0x10: {  	[smem:$0x3FAE] =	sst s8  }
0x11: {  	[smem:$0x3FAF] =	sst s9;
	s0 =	simm.s32 @!p0 $0x0  }
0x12: {  	s1 =	sld [smem:$0x3F95];
	s0 =	simm.s32 @p0 $0x1  }
0x13: {  	[smem:$0x3FB0] =	sst s0;
	s0 =	simm.s32 @!p1 $0x0  }
0x14: {  	s2 =	sld [smem:$0x3F94];
	s0 =	simm.s32 @p1 $0x1  }
0x15: {  	[smem:$0x3FB1] =	sst s0;
	s0 =	simm.s32 @!p2 $0x0  }
0x16: {  	s3 =	sld [smem:$0x3FDB];
	s0 =	simm.s32 @p2 $0x1  }
0x17: {  	s4 =	simm.s32 $0x1BF5;
	[smem:$0x3FB3] =	sst s0  }
0x18: {  	s0 =	sld [smem:$0x3F96];
	_ =	swait.ge [sflag:s4], $0x0  }
0x19: {  	s7 =	sld [smem:$0x3F97]  }
0x1a: {  	s8 =	sadd.s32 $0xFFFFE003, lr  }
0x1b: {  	s9 =	sadd.s32 $0xFFFFFEF7, lr;
	s5 =	simm.s32 $0xFFFFFFFF;
	p2 =	slt.u32 s8, $0xFFFFF086  }
0x1c: {  	p1 =	slt.u32 s9, $0xF7A;
	s5 =	simm.s32 @!p2 $0x0  }
0x1d: {  	s5 =	simm.s32 @p1 $0x1;
	p0 =	seq.s32 s7, s2  }
0x1e: {  	s7 =	smul.u32 @!p0 $0xF7A, s2;
	p2 =	seq.s32 @!p0 s5, $0x0  }
0x1f: {  	s9 =	smul.u32 $0xF7A, s1;
	s8 =	simm.s32 @!p0 $0x1BF5;
	p2 =	por !p2, p0  }
0x20: {  	[sflag:s8] =	ssyncset.s32 @!p0 $0xFFFFF086;
	s6 =	sadd.s32 @!p0 s3, s7;
	s7 =	simm.s32 @!p0 $0x108  }
0x21: {  	s3 =	sadd.s32 s3, s9;
	s6 =	sadd.s32 @!p0 $0x88, s6;
	s7 =	simm.s32 @p2 $0x1082  }
0x22: {  	[simem:s7], [sflag:s8] =	dma.local @!p0 [hbm:s6], $0xF7A  }
0x23: {  	s9 =	sor.u32 $0xD0000000, s2;
	s6 =	simm.s32 $0x108;
	_ =	swait.ge @!p0 [sflag:s8], $0x0  }
0x24: {  	s3 =	sadd.s32 $0x88, s3;
	s6 =	simm.s32 @!p1 $0x1082;
	[sflag:s4] =	ssyncset.s32 $0xFFFFF086  }
0x25: {  	[simem:s6], [sflag:s4] =	dma.local [hbm:s3], $0xF7A  }
0x26: {  	[smem:$0x3F97] =	sst s1;
	(tag) =	ssettag s2;
	_ =	strace s9  }
0x27: {  	s1 =	sld [smem:$0x3FA7]  }
0x28: {  	s2 =	sld [smem:$0x3FA8]  }
0x29: {  	s4 =	sld [smem:$0x3FAA]  }
0x2a: {  	p0 =	seq.s32 s5, $0x0;
	s5 =	sld [smem:$0x3FAB]  }
0x2b: {  	s6 =	sld [smem:$0x3FAC]  }
0x2c: {  	s7 =	sld [smem:$0x3FAD]  }
0x2d: {  	s3 =	simm.s32 $0x108;
	s8 =	sld [smem:$0x3FAE]  }
0x2e: {  	s3 =	simm.s32 @!p0 $0x1082;
	s9 =	sld [smem:$0x3FAF]  }
0x2f: {  	lr =	sadd.s32 s0, s3;
	s0 =	sld [smem:$0x3FA6]  }
0x30: {  	s3 =	sld [smem:$0x3FA9]  }
0x31: {  	[smem:$0x3FB2] =	sst s10  }
0x32: {  	s10 =	sld [smem:$0x3FB0];
	_ =	sdelay $0x3  }
0x33: {  	p0 =	seq.s32 s10, $0x1;
	s10 =	sld [smem:$0x3FB2];
	_ =	sdelay $0x3  }
0x34: {  	[smem:$0x3FB2] =	sst s10  }
0x35: {  	s10 =	sld [smem:$0x3FB1];
	_ =	sdelay $0x3  }
0x36: {  	p1 =	seq.s32 s10, $0x1;
	s10 =	sld [smem:$0x3FB2];
	_ =	sdelay $0x3  }
0x37: {  	[smem:$0x3FB2] =	sst s10  }
0x38: {  	s10 =	sld [smem:$0x3FB3]  }
0x39: {  	_ = 	snop;
	(pc) =	sbr.ind lr, $3  }
0x3a: {  	_ = 	snop  }
0x3b: {  	_ = 	snop  }
0x3c: {  	p2 =	seq.s32 s10, $0x1;
	s10 =	sld [smem:$0x3FB2]  }
0x3d: {  	_ =	shalt  }
0x3e: {  	_ =	shalt  }
0x3f: {  	_ =	shalt  }
0x40: {  	_ =	shalt  }
0x41: {  	_ =	shalt  }
0x42: {  	_ =	shalt  }
0x43: {  	_ =	shalt  }
0x44: {  	_ =	shalt  }
0x45: {  	_ =	shalt  }
0x46: {  	_ =	shalt  }
0x47: {  	_ =	shalt  }
0x48: {  	_ =	shalt  }
0x49: {  	_ =	shalt  }
0x4a: {  	_ =	shalt  }
0x4b: {  	_ =	shalt  }
0x4c: {  	_ =	shalt  }
0x4d: {  	_ =	shalt  }
0x4e: {  	_ =	shalt  }
0x4f: {  	_ =	shalt  }
0x50: {  	_ =	shalt  }
0x51: {  	_ =	shalt  }
0x52: {  	_ =	shalt  }
0x53: {  	_ =	shalt  }
0x54: {  	_ =	shalt  }
0x55: {  	_ =	shalt  }
0x56: {  	_ =	shalt  }
0x57: {  	_ =	shalt  }
0x58: {  	_ =	shalt  }
0x59: {  	_ =	shalt  }
0x5a: {  	_ =	shalt  }
0x5b: {  	_ =	shalt  }
0x5c: {  	_ =	shalt  }
0x5d: {  	_ =	shalt  }
0x5e: {  	_ =	shalt  }
0x5f: {  	_ =	shalt  }
0x60: {  	_ =	shalt  }
0x61: {  	_ =	shalt  }
0x62: {  	_ =	shalt  }
0x63: {  	_ =	shalt  }
0x64: {  	_ =	shalt  }
0x65: {  	_ =	shalt  }
0x66: {  	_ =	shalt  }
0x67: {  	_ =	shalt  }
0x68: {  	_ =	shalt  }
0x69: {  	_ =	shalt  }
0x6a: {  	_ =	shalt  }
0x6b: {  	_ =	shalt  }
0x6c: {  	_ =	shalt  }
0x6d: {  	_ =	shalt  }
0x6e: {  	_ =	shalt  }
0x6f: {  	_ =	shalt  }
0x70: {  	_ =	shalt  }
0x71: {  	_ =	shalt  }
0x72: {  	_ =	shalt  }
0x73: {  	_ =	shalt  }
0x74: {  	_ =	shalt  }
0x75: {  	_ =	shalt  }
0x76: {  	_ =	shalt  }
0x77: {  	_ =	shalt  }
0x78: {  	_ =	shalt  }
0x79: {  	_ =	shalt  }
0x7a: {  	_ =	shalt  }
0x7b: {  	_ =	shalt  }
0x7c: {  	_ =	shalt  }
0x7d: {  	_ =	shalt  }
0x7e: {  	_ =	shalt  }
0x7f: {  	_ =	shalt  }
0x80: {  	_ =	shalt  }
0x81: {  	_ =	shalt  }
0x82: {  	_ =	shalt  }
0x83: {  	_ =	shalt  }
0x84: {  	_ =	shalt  }
0x85: {  	_ =	shalt  }
0x86: {  	_ =	shalt  }
0x87: {  	_ =	shalt  }
.Lfunc_end0:
.L_simem_size_0:
called_computation.1_lowered:
.L_overlay_start_0:
0x88: {  	s2 =	sld [smem:$0x3FD9]  }
0x89: {  	s3 =	sld [smem:$0x3FFE];
	_ =	sdelay $0x1  }
0x8a: {  	s1 =	srdreg.scid  }
0x8b: {  	s0 =	sand.u32 $0x1, s1  }
0x8c: {  	s16 =	sshll.u32 s0, $0xA;
	s2 =	sadd.s32 s3, s2  }
0x8d: {  	s2 =	sadd.s32 s2, s16  }
0x8e: {  	[smem:$0x3FBE] =	sst s2  }
0x8f: {  	_ = 	snop  }
0x90: {  	(tm) =	ssettm $0x1  }
0x91: {  	s17 =	sld [smem:$0x3FFB];
	_ =	sdelay $0x3  }
0x92: {  	_ =	strace s17  }
0x93: {  	s2 =	sld [smem:$0x3FFC];
	_ =	sdelay $0x3  }
0x94: {  	_ =	strace s2  }
0x95: {  	s2 =	sld [smem:$0x3FFD];
	_ =	sdelay $0x3  }
0x96: {  	_ =	strace s2  }
0x97: {  	_ =	strace $0x8FFFFFFF  }
0x98: {  	s18 =	sld [smem:$0x3FDB];
	_ =	sdelay $0x1  }
0x99: {  	s19 =	simm.s32 $_scs_section_size  }
0x9a: {  	s4 =	simm.s32 $_size__tile_overlayer_lowered;
	s5 =	simm.s32 $_tile_overlayer_lowered  }
0x9b: {  	s22 =	simm.s32 $0x1BFF;
	s21 =	sshll.u32 s5, $0x1;
	s2 =	sadd.s32 s19, s18  }
0x9c: {  	s6 =	simm.s32 $0x0;
	s20 =	sshll.u32 s4, $0x1;
	s4 =	sadd.s32 s21, s2  }
0x9d: {  	[timem:s6], [sflag:s22] =	dma.local [hbm:s4], s20  }
0x9e: {  	_ =	swait.ge [sflag:s22], s20  }
0x9f: {  	s3 =	ssub.s32 $0x0, s20;
	[sflag:s22] =	ssyncset.done $0x0  }
0xa0: {  	[sflag:s22] =	ssyncadd.s32 s3;
	_ =	sdelay $0x1  }
0xa1: {  	s23 =	simm.s32 $0x1B8B  }
0xa2: {  	_ =	swait.ge [sflag:s23], $0x1  }
0xa3: {  	[sflag:s23] =	ssyncset.done $0x0  }
0xa4: {  	s25 =	simm.s32 $0x1B8E;
	s24 =	sld [smem:$0x3FFE];
	[sflag:s23] =	ssyncadd.s32 $0xFFFFFFFF  }
0xa5: {  	s26 =	simm.s32 $execute0_lowered;
	[smem:$0x3FD2] =	sst s25  }
0xa6: {  	s4 =	sshll.u32 s26, $0x1;
	_ =	strace $0x80000049;
	[dreg:$0x1] =	wrdreg $0xFFFFFFFF  }
0xa7: {  	s28 =	simm.s32 $_size_execute0_lowered;
	s2 =	sadd.s32 s2, s4;
	[dreg:$0x0] =	wrdreg $0x0  }
0xa8: {  	s4 =	sshll.u32 s28, $0x1;
	[dreg:$0x2] =	wrdreg s2  }
0xa9: {  	[dreg:$0x3] =	wrdreg s4  }
0xaa: {  	[dreg:$0x4] =	wrdreg $0xC0  }
0xab: {  	_ =	task [dreg:s6], $0x5FFFF  }
0xac: {  	[dreg:$0x1] =	wrdreg $0xFFFFFFFF  }
0xad: {  	[dreg:$0x0] =	wrdreg $0x60  }
0xae: {  	[dreg:$0x2] =	wrdreg s24  }
0xaf: {  	[dreg:$0x3] =	wrdreg $0xA8000  }
0xb0: {  	[dreg:$0x4] =	wrdreg $0x9  }
0xb1: {  	_ =	task.clear_ibuf [dreg:s6], $0x5FFFF;
	_ =	strace $0x90000049  }
0xb2: {  	s29 =	simm.s32 $0x9;
	_ =	strace $0x8000004B  }
0xb3: {  	_ =	swait.ge [sflag:s29], $0x1  }
0xb4: {  	[sflag:s29] =	ssyncadd.s32 $0xFFFFFFFF  }
0xb5: {  	_ =	strace $0x9000004B  }
0xb6: {  	_ =	sfence  }
0xb7: {  	s30 =	sld [smem:$0x0];
	_ =	sdelay $0x2  }
0xb8: {  	s31 =	sshll.u32 s1, $0xD;
	s1 =	sshrl.u32 s1, $0x2  }
0xb9: {  	s3 =	sand.u32 $0x4000, s31;
	s1 =	sadd.s32 s1, s30  }
0xba: {  	s0 =	sor.u32 s3, s0;
	s1 =	sshll.u32 s1, $0x11  }
0xbb: {  	s0 =	sor.u32 s1, s0  }
0xbc: {  	s0 =	sadd.s32 $0x8F2B, s0  }
0xbd: {  	[sflag:s0] =	ssyncadd.remote.s32 $0x1  }
0xbe: {  	_ =	sfence.sel $0xFFFF  }
0xbf: {  	[dreg:$0x0] =	wrdreg $0xFFFFFFFF;
	(pc) =	sbr.abs _section_cstart, $3  }
0xc0: {  	[dreg:$0x1] =	wrdreg $0xFFFFFFFF  }
0xc1: {  	_ =	task.clear_ibuf [dreg:s6], $0x2FFFF;
	_ =	strace $0x9FFFFFFF  }
0xc2: {  	(tm) =	ssettm $0x7FFFFFFF  }
0xc3: {  	_ =	shalt  }
tec
execute0_lowered:
.L_overlay_start_1:
0x0: {  	(tag) =	ssettag $0x1  }
0x1: {  	s5 =	rddreg [dreg:$0x0]  }
0x2: {  	s1 =	rddreg [dreg:$0x1]  }
0x3: {  	s0 =	rddreg [dreg:$0x2]  }
0x4: {  	s2 =	simm.s32 $0x0;
	s3 =	srdreg.scid;
	s24 =	stileid.u32  }
0x5: {  	s16 =	simm.s32 $0x3;
	s17 =	simm.s32 $0x1400;
	s18 =	simm.s32 $0x80  }
0x6: {  	s19 =	simm.s32 $0x6800;
	s20 =	simm.s32 $0x1;
	s21 =	simm.s32 $0x2  }
0x7: {  	s22 =	simm.s32 $0x2700;
	s23 =	simm.s32 $0x2780;
	[smem:$0x7FF] =	sst s2  }
0x8: {  	s11 =	sadd.s32 $0x2800, s5;
	s12 =	sadd.s32 $0xC800, s5;
	s4 =	sand.u32 $0x1, s3  }
0x9: {  	s6 =	smul.u32 $0x4F000, s24;
	s3 =	sadd.s32 $0x16800, s5;
	s8 =	sshll.u32 s24, $0x1  }
0xa: {  	p0 =	sne.s32 s24, $0x0;
	_ =	strace $0x8000004A;
	s7 =	smul.u32 $0x27800, s4  }
0xb: {  	s9 =	ssub.s32 $0x2, s4;
	s8 =	sor.u32 s4, s8;
	s30 =	sshrl.u32 s6, $0x2  }
0xc: {  	s31 =	sshrl.u32 s9, $0x1;
	s8 =	smul.u32 $0x2800, s8;
	s4 =	sadd.s32 s30, s1  }
0xd: {  	s13 =	sadd.s32 s7, s5;
	s14 =	ssub.s32 s9, s31;
	s5 =	sadd.s32 $0x4000, s4  }
0xe: {  	s6 =	sadd.s32 $0x8000, s4;
	s7 =	sadd.s32 $0xC000, s4;
	s10 =	sshrl.u32 s8, $0x3  }
0xf: {  	s8 =	sadd.s32 $0x10000, s4;
	s13 =	sadd.s32 $0x3E000, s13;
	s14 =	smax.u32 s14, $0x1  }
0x10: {  	s9 =	sadd.s32 s11, s10;
	s15 =	sadd.s32 $0x280, s10;
	s10 =	sadd.s32 s12, s10  }
0x11: {  	v0 =	vimm.f32 $0.0e+00;
	s11 =	sadd.s32 s11, s15;
	s12 =	sadd.s32 s12, s15;
	s15 =	simm.s32 $0x2800  }
.LBB2_1:
0x12: {  	s24 =	simm.s32 $0x0;
	s25 =	simm.s32 $0x200  }
.LBB2_2:
0x13: {  	p1 =	sne.s32 s25, $0xFE00;
	[tilespmem:s24+$0x2870] =	vst v0  }
0x14: {  	[tilespmem:s24+$0x2800] =	vst v0  }
0x15: {  	[tilespmem:s24+$0x2810] =	vst v0  }
.Ltmp0:
0x16: {  	[tilespmem:s24+$0x2820] =	vst v0;
	(pc) =	sbr.rel @p1 .LBB2_2-.Ltmp0, $4  }
0x17: {  	[tilespmem:s24+$0x2830] =	vst v0  }
0x18: {  	[tilespmem:s24+$0x2840] =	vst v0  }
0x19: {  	[tilespmem:s24+$0x2850] =	vst v0  }
0x1a: {  	[tilespmem:s24+$0x2860] =	vst v0;
	s24 =	sshra.s32 s25, $0x2;
	s25 =	sadd.s32 $0x200, s25  }
0x1b: {  	[tilespmem:s24+$0x2870] =	vst v0  }
0x1c: {  	[tilespmem:s24+$0x2800] =	vst v0  }
0x1d: {  	[tilespmem:s24+$0x2810] =	vst v0  }
0x1e: {  	[tilespmem:s24+$0x2820] =	vst v0  }
0x1f: {  	[tilespmem:s24+$0x2830] =	vst v0  }
0x20: {  	[tilespmem:s24+$0x2840] =	vst v0  }
0x21: {  	[tilespmem:s24+$0x2850] =	vst v0  }
0x22: {  	[tilespmem:s24+$0x2860] =	vst v0  }
0x23: {  	[spmem:s4] =	stream.linear.scatter [tilespmem:s15], [sflag:$0x3], $0x4000, $0x38;
	[tilespmem:$0x1E400] =	vst v63  }
0x24: {  	_ =	swait.ge [sflag:s16], $0x4000  }
0x25: {  	[sflag:s16] =	ssyncset.done $0x0  }
0x26: {  	[sflag:s16] =	ssyncadd.s32 $0xFFFFC000  }
0x27: {  	[spmem:s5] =	stream.linear.scatter [tilespmem:s15], [sflag:$0x3], $0x4000, $0x38;
	[tilespmem:$0x1E400] =	vst v63  }
0x28: {  	_ =	swait.ge [sflag:s16], $0x4000  }
0x29: {  	[sflag:s16] =	ssyncset.done $0x0  }
0x2a: {  	[sflag:s16] =	ssyncadd.s32 $0xFFFFC000  }
0x2b: {  	[spmem:s6] =	stream.linear.scatter [tilespmem:s15], [sflag:$0x3], $0x4000, $0x38;
	[tilespmem:$0x1E400] =	vst v63  }
0x2c: {  	_ =	swait.ge [sflag:s16], $0x4000  }
0x2d: {  	[sflag:s16] =	ssyncset.done $0x0  }
0x2e: {  	[sflag:s16] =	ssyncadd.s32 $0xFFFFC000  }
0x2f: {  	[spmem:s7] =	stream.linear.scatter [tilespmem:s15], [sflag:$0x3], $0x4000, $0x38;
	[tilespmem:$0x1E400] =	vst v63  }
0x30: {  	_ =	swait.ge [sflag:s16], $0x4000  }
0x31: {  	[sflag:s16] =	ssyncset.done $0x0  }
0x32: {  	[sflag:s16] =	ssyncadd.s32 $0xFFFFC000  }
0x33: {  	[spmem:s8] =	stream.linear.scatter [tilespmem:s15], [sflag:$0x3], $0x3C00, $0x38;
	[tilespmem:$0x1E400] =	vst v63  }
0x34: {  	_ =	swait.ge [sflag:s16], $0x3C00  }
0x35: {  	[sflag:s16] =	ssyncset.done $0x0  }
0x36: {  	s28 =	simm.s32 $0x0;
	[sflag:s16] =	ssyncadd.s32 $0xFFFFC400  }
0x37: {  	[tilespmem:s28], [sflag:$0x3] =	stream.linear.gather [hbm4b:s9+s28], $0x1400, $0x38;
	[tilespmem:$0x1E400] =	vst v63  }
0x38: {  	_ =	swait.ge [sflag:s16], $0x1400  }
0x39: {  	[sflag:s16] =	ssyncset.done $0x0  }
0x3a: {  	[sflag:s16] =	ssyncadd.s32 $0xFFFFEC00  }
0x3b: {  	[tilespmem:s17], [sflag:$0x3] =	stream.linear.gather [hbm4b:s10+s28], $0x1400, $0x38;
	[tilespmem:$0x1E400] =	vst v63  }
0x3c: {  	_ =	swait.ge [sflag:s16], $0x1400  }
0x3d: {  	[sflag:s16] =	ssyncset.done $0x0  }
0x3e: {  	[sflag:s16] =	ssyncadd.s32 $0xFFFFEC00  }
0x3f: {  	[bflag:$0x0] =	sbarrier.arrive $0xFFFF  }
0x40: {  	[tilespmem:s15], [sflag:$0x1] =	stream.indirect.gather [hbm4b:s3+s18], $0x80, s28, s18, $0xb8;
	[tilespmem:$0x1E400] =	vst v63  }
0x41: {  	_ = 	snop  }
0x42: {  	[tilespmem:s19], [sflag:$0x2] =	stream.indirect.gather [hbm4b:s3+s18], $0x80, s18, s18, $0xb8;
	[tilespmem:$0x1E400] =	vst v63  }
0x43: {  	_ =	swait.ge [sflag:s20], $0x4000  }
0x44: {  	[sflag:s20] =	ssyncset.done $0x0  }
0x45: {  	s29 =	simm.s32 $0x1400;
	[sflag:s20] =	ssyncadd.s32 $0xFFFFC000  }
0x46: {  	[spmem:s1] =	stream.indirect.scatter.add.f32 [tilespmem:s15], [sflag:$0x3], $0x80, s29, s18, $0xb8;
	[tilespmem:$0x1E400] =	vst v63  }
0x47: {  	_ =	swait.ge [sflag:s16], $0x4000  }
0x48: {  	[sflag:s16] =	ssyncset.done $0x0  }
0x49: {  	s30 =	simm.s32 $0x100;
	[sflag:s16] =	ssyncadd.s32 $0xFFFFC000  }
0x4a: {  	[tilespmem:s15], [sflag:$0x1] =	stream.indirect.gather [hbm4b:s3+s18], $0x80, s30, s18, $0xb8;
	[tilespmem:$0x1E400] =	vst v63  }
0x4b: {  	_ =	swait.ge [sflag:s21], $0x4000  }
0x4c: {  	[sflag:s21] =	ssyncset.done $0x0  }
0x4d: {  	s31 =	simm.s32 $0x1480;
	[sflag:s21] =	ssyncadd.s32 $0xFFFFC000  }
0x4e: {  	[spmem:s1] =	stream.indirect.scatter.add.f32 [tilespmem:s19], [sflag:$0x3], $0x80, s31, s18, $0xb8;
	[tilespmem:$0x1E400] =	vst v63  }
0x4f: {  	_ =	swait.ge [sflag:s16], $0x4000  }
0x50: {  	[sflag:s16] =	ssyncset.done $0x0  }
0x51: {  	s24 =	simm.s32 $0x400;
	s25 =	simm.s32 $0x180;
	[sflag:s16] =	ssyncadd.s32 $0xFFFFC000  }
.LBB2_4:
0x52: {  	[tilespmem:s19], [sflag:$0x2] =	stream.indirect.gather [hbm4b:s3+s18], $0x80, s25, s18, $0xb8;
	[tilespmem:$0x1E400] =	vst v63  }
0x53: {  	s25 =	smov.u32 s24  }
0x54: {  	p1 =	sne.s32 s24, $0x4800;
	s24 =	sadd.s32 $0x400, s24;
	_ =	swait.ge [sflag:s20], $0x4000  }
0x55: {  	s25 =	sshra.s32 s25, $0x2;
	[sflag:s20] =	ssyncset.done $0x0  }
0x56: {  	s26 =	sadd.s32 $0x1400, s25;
	[sflag:s20] =	ssyncadd.s32 $0xFFFFC000  }
0x57: {  	[spmem:s1] =	stream.indirect.scatter.add.f32 [tilespmem:s15], [sflag:$0x3], $0x80, s26, s18, $0xb8;
	[tilespmem:$0x1E400] =	vst v63  }
0x58: {  	_ =	swait.ge [sflag:s16], $0x4000  }
0x59: {  	[sflag:s16] =	ssyncset.done $0x0  }
0x5a: {  	s26 =	sadd.s32 $0x100, s25;
	[sflag:s16] =	ssyncadd.s32 $0xFFFFC000  }
0x5b: {  	[tilespmem:s15], [sflag:$0x1] =	stream.indirect.gather [hbm4b:s3+s18], $0x80, s26, s18, $0xb8;
	[tilespmem:$0x1E400] =	vst v63  }
0x5c: {  	_ =	swait.ge [sflag:s21], $0x4000  }
0x5d: {  	[sflag:s21] =	ssyncset.done $0x0  }
.Ltmp1:
0x5e: {  	s26 =	sadd.s32 $0x1480, s25;
	[sflag:s21] =	ssyncadd.s32 $0xFFFFC000;
	(pc) =	sbr.rel @p1 .LBB2_4-.Ltmp1, $4  }
0x5f: {  	[spmem:s1] =	stream.indirect.scatter.add.f32 [tilespmem:s19], [sflag:$0x3], $0x80, s26, s18, $0xb8;
	[tilespmem:$0x1E400] =	vst v63  }
0x60: {  	_ =	swait.ge [sflag:s16], $0x4000  }
0x61: {  	[sflag:s16] =	ssyncset.done $0x0  }
0x62: {  	s25 =	sadd.s32 $0x180, s25;
	[sflag:s16] =	ssyncadd.s32 $0xFFFFC000  }
0x63: {  	[tilespmem:s19], [sflag:$0x2] =	stream.indirect.gather [hbm4b:s3+s18], $0x80, s25, s18, $0xb8;
	[tilespmem:$0x1E400] =	vst v63  }
0x64: {  	_ =	swait.ge [sflag:s20], $0x4000  }
0x65: {  	[sflag:s20] =	ssyncset.done $0x0  }
0x66: {  	[sflag:s20] =	ssyncadd.s32 $0xFFFFC000  }
0x67: {  	[spmem:s1] =	stream.indirect.scatter.add.f32 [tilespmem:s15], [sflag:$0x3], $0x80, s22, s18, $0xb8;
	[tilespmem:$0x1E400] =	vst v63  }
0x68: {  	_ =	swait.ge [sflag:s16], $0x4000  }
0x69: {  	[sflag:s16] =	ssyncset.done $0x0  }
0x6a: {  	[sflag:s16] =	ssyncadd.s32 $0xFFFFC000  }
0x6b: {  	_ =	swait.ge [sflag:s21], $0x4000  }
0x6c: {  	[sflag:s21] =	ssyncset.done $0x0  }
0x6d: {  	[sflag:s21] =	ssyncadd.s32 $0xFFFFC000  }
0x6e: {  	[spmem:s1] =	stream.indirect.scatter.add.f32 [tilespmem:s19], [sflag:$0x3], $0x80, s23, s18, $0xb8;
	[tilespmem:$0x1E400] =	vst v63  }
0x6f: {  	_ =	swait.ge [sflag:s16], $0x4000  }
0x70: {  	[sflag:s16] =	ssyncset.done $0x0  }
0x71: {  	s24 =	simm.s32 $0x0;
	[sflag:s16] =	ssyncadd.s32 $0xFFFFC000  }
0x72: {  	[tilespmem:s24], [sflag:$0x3] =	stream.linear.gather [hbm4b:s11+s24], $0x1400, $0x38;
	[tilespmem:$0x1E400] =	vst v63  }
0x73: {  	_ =	swait.ge [sflag:s16], $0x1400  }
0x74: {  	[sflag:s16] =	ssyncset.done $0x0  }
0x75: {  	[sflag:s16] =	ssyncadd.s32 $0xFFFFEC00  }
0x76: {  	[tilespmem:s17], [sflag:$0x3] =	stream.linear.gather [hbm4b:s12+s24], $0x1400, $0x38;
	[tilespmem:$0x1E400] =	vst v63  }
0x77: {  	_ =	swait.ge [sflag:s16], $0x1400  }
0x78: {  	[sflag:s16] =	ssyncset.done $0x0  }
0x79: {  	[sflag:s16] =	ssyncadd.s32 $0xFFFFEC00  }
0x7a: {  	[tilespmem:s15], [sflag:$0x1] =	stream.indirect.gather [hbm4b:s3+s18], $0x80, s24, s18, $0xb8;
	[tilespmem:$0x1E400] =	vst v63  }
0x7b: {  	_ = 	snop  }
0x7c: {  	[tilespmem:s19], [sflag:$0x2] =	stream.indirect.gather [hbm4b:s3+s18], $0x80, s18, s18, $0xb8;
	[tilespmem:$0x1E400] =	vst v63  }
0x7d: {  	_ =	swait.ge [sflag:s20], $0x4000  }
0x7e: {  	[sflag:s20] =	ssyncset.done $0x0  }
0x7f: {  	s29 =	simm.s32 $0x1400;
	[sflag:s20] =	ssyncadd.s32 $0xFFFFC000  }
0x80: {  	[spmem:s1] =	stream.indirect.scatter.add.f32 [tilespmem:s15], [sflag:$0x3], $0x80, s29, s18, $0xb8;
	[tilespmem:$0x1E400] =	vst v63  }
0x81: {  	_ =	swait.ge [sflag:s16], $0x4000  }
0x82: {  	[sflag:s16] =	ssyncset.done $0x0  }
0x83: {  	s30 =	simm.s32 $0x100;
	[sflag:s16] =	ssyncadd.s32 $0xFFFFC000  }
0x84: {  	[tilespmem:s15], [sflag:$0x1] =	stream.indirect.gather [hbm4b:s3+s18], $0x80, s30, s18, $0xb8;
	[tilespmem:$0x1E400] =	vst v63  }
0x85: {  	_ =	swait.ge [sflag:s21], $0x4000  }
0x86: {  	[sflag:s21] =	ssyncset.done $0x0  }
0x87: {  	s31 =	simm.s32 $0x1480;
	[sflag:s21] =	ssyncadd.s32 $0xFFFFC000  }
0x88: {  	[spmem:s1] =	stream.indirect.scatter.add.f32 [tilespmem:s19], [sflag:$0x3], $0x80, s31, s18, $0xb8;
	[tilespmem:$0x1E400] =	vst v63  }
0x89: {  	_ =	swait.ge [sflag:s16], $0x4000  }
0x8a: {  	[sflag:s16] =	ssyncset.done $0x0  }
0x8b: {  	s25 =	simm.s32 $0x180;
	s24 =	simm.s32 $0x400;
	[sflag:s16] =	ssyncadd.s32 $0xFFFFC000  }
.LBB2_6:
0x8c: {  	[tilespmem:s19], [sflag:$0x2] =	stream.indirect.gather [hbm4b:s3+s18], $0x80, s25, s18, $0xb8;
	[tilespmem:$0x1E400] =	vst v63  }
0x8d: {  	s25 =	smov.u32 s24  }
0x8e: {  	p1 =	sne.s32 s24, $0x4800;
	s24 =	sadd.s32 $0x400, s24;
	_ =	swait.ge [sflag:s20], $0x4000  }
0x8f: {  	s25 =	sshra.s32 s25, $0x2;
	[sflag:s20] =	ssyncset.done $0x0  }
0x90: {  	s26 =	sadd.s32 $0x1400, s25;
	[sflag:s20] =	ssyncadd.s32 $0xFFFFC000  }
0x91: {  	[spmem:s1] =	stream.indirect.scatter.add.f32 [tilespmem:s15], [sflag:$0x3], $0x80, s26, s18, $0xb8;
	[tilespmem:$0x1E400] =	vst v63  }
0x92: {  	_ =	swait.ge [sflag:s16], $0x4000  }
0x93: {  	[sflag:s16] =	ssyncset.done $0x0  }
0x94: {  	s26 =	sadd.s32 $0x100, s25;
	[sflag:s16] =	ssyncadd.s32 $0xFFFFC000  }
0x95: {  	[tilespmem:s15], [sflag:$0x1] =	stream.indirect.gather [hbm4b:s3+s18], $0x80, s26, s18, $0xb8;
	[tilespmem:$0x1E400] =	vst v63  }
0x96: {  	_ =	swait.ge [sflag:s21], $0x4000  }
0x97: {  	[sflag:s21] =	ssyncset.done $0x0  }
.Ltmp2:
0x98: {  	s26 =	sadd.s32 $0x1480, s25;
	[sflag:s21] =	ssyncadd.s32 $0xFFFFC000;
	(pc) =	sbr.rel @p1 .LBB2_6-.Ltmp2, $4  }
0x99: {  	[spmem:s1] =	stream.indirect.scatter.add.f32 [tilespmem:s19], [sflag:$0x3], $0x80, s26, s18, $0xb8;
	[tilespmem:$0x1E400] =	vst v63  }
0x9a: {  	_ =	swait.ge [sflag:s16], $0x4000  }
0x9b: {  	[sflag:s16] =	ssyncset.done $0x0  }
0x9c: {  	s25 =	sadd.s32 $0x180, s25;
	[sflag:s16] =	ssyncadd.s32 $0xFFFFC000  }
0x9d: {  	[tilespmem:s19], [sflag:$0x2] =	stream.indirect.gather [hbm4b:s3+s18], $0x80, s25, s18, $0xb8;
	[tilespmem:$0x1E400] =	vst v63  }
0x9e: {  	_ =	swait.ge [sflag:s20], $0x4000  }
0x9f: {  	[sflag:s20] =	ssyncset.done $0x0  }
0xa0: {  	[sflag:s20] =	ssyncadd.s32 $0xFFFFC000  }
0xa1: {  	[spmem:s1] =	stream.indirect.scatter.add.f32 [tilespmem:s15], [sflag:$0x3], $0x80, s22, s18, $0xb8;
	[tilespmem:$0x1E400] =	vst v63  }
0xa2: {  	_ =	swait.ge [sflag:s16], $0x4000  }
0xa3: {  	[sflag:s16] =	ssyncset.done $0x0  }
0xa4: {  	[sflag:s16] =	ssyncadd.s32 $0xFFFFC000  }
0xa5: {  	_ =	swait.ge [sflag:s21], $0x4000  }
0xa6: {  	[sflag:s21] =	ssyncset.done $0x0  }
0xa7: {  	[sflag:s21] =	ssyncadd.s32 $0xFFFFC000  }
0xa8: {  	[spmem:s1] =	stream.indirect.scatter.add.f32 [tilespmem:s19], [sflag:$0x3], $0x80, s23, s18, $0xb8;
	[tilespmem:$0x1E400] =	vst v63  }
0xa9: {  	_ =	swait.ge [sflag:s16], $0x4000  }
0xaa: {  	[sflag:s16] =	ssyncset.done $0x0  }
0xab: {  	s24 =	sshrl.u32 @!p0 s1, $0x3;
	s2 =	sadd.s32 $0x1, s2;
	[sflag:s16] =	ssyncadd.s32 $0xFFFFC000  }
0xac: {  	s25 =	simm.s32 @!p0 $0x1C03;
	p1 =	sne.s32 s2, s14;
	[bflag:$0x0] =	sbarrier.arrive $0xFFFF  }
0xad: {  	[hbm:s13], [sflag:s25] =	dma.local @!p0 [spmem:s24], $0x27800  }
.Ltmp3:
0xae: {  	_ = 	snop;
	(pc) =	sbr.rel @p1 .LBB2_1-.Ltmp3, $4  }
0xaf: {  	s24 =	simm.s32 @!p0 $0x3  }
0xb0: {  	_ =	swait.ge @!p0 [sflag:s24], $0x27800  }
0xb1: {  	[sflag:s24] =	ssyncset.done @!p0 $0x0  }
0xb2: {  	[sflag:s24] =	ssyncadd.s32 @!p0 $0xFFFD8800  }
0xb3: {  	_ =	sfence.sel $0x180000  }
0xb4: {  	[bflag:$0x0] =	sbarrier.arrive $0xFFFF  }
0xb5: {  	_ =	strace $0x9000004A  }
0xb6: {  	s0 =	sadd.s32 @!p0 $0x100000, s0;
	[bflag:$0x2] =	sbarrier.arrive $0xFFFF  }
0xb7: {  	[sflag:s0] =	ssyncadd.tile.s32 @!p0 $0x1;
	_ =	shalt  }
.Lfunc_end2:
_tile_overlayer_lowered:
.L_overlay_start_2:
0xb8: {  	(tag) =	ssettag $0x2  }
0xb9: {  	s0 =	rddreg [dreg:$0x0];
	s2 =	stileid.u32  }
0xba: {  	s1 =	rddreg [dreg:$0x1];
	p0 =	sne.s32 s2, $0x0  }
0xbb: {  	s3 =	rddreg [dreg:$0x2];
	[bflag:$0x3] =	sbarrier.arrive $0xFFFF;
	s2 =	simm.s32 @!p0 $0x1C03  }
0xbc: {  	[timem:s3], [sflag:s2] =	dma.local @!p0 [hbm:s0], s1  }
0xbd: {  	s0 =	simm.s32 @!p0 $0x3  }
0xbe: {  	_ =	swait.ge @!p0 [sflag:s0], s1  }
0xbf: {  	s1 =	ssub.s32 @!p0 $0x0, s1;
	[sflag:s0] =	ssyncset.done @!p0 $0x0  }
0xc0: {  	[sflag:s0] =	ssyncadd.s32 @!p0 s1  }
0xc1: {  	[bflag:$0x3] =	sbarrier.arrive $0xFFFF  }
0xc2: {  	_ =	shalt  }

</sc_bundles>
